<compile_context>
chip_gen: v7x
topology: tpu7x:2x2x1
jax: 0.10.2.dev20260603
libtpu: 0.0.44.dev20260713+nightly
codegen_flags: <defaults>
</compile_context>

<pallas_src>
import functools

import jax
import jax.numpy as jnp
from jax import lax
from jax.experimental import pallas as pl
from jax.experimental.pallas import tpu as pltpu
from jax.experimental.pallas import tpu_sc as plsc

B, L, D = 1, 2048, 1024
E, K, DFF = 8, 2, 4096
N = B * L
SEG = N
CHUNK = 256
FBLK = 1024
NF = DFF // FBLK
CSH = 512
NC, NS = 2, 16
NW = NC * NS
TOK_W = N // NW
WREP = 128
CSUB = 32



def _gate_body(x_ref, wg_ref, aux_ref, cnt_ref, pos0_ref, pos1_ref,
               w0_ref, w1_ref):
    x = x_ref[...]
    logits = lax.dot_general(
        x.astype(jnp.bfloat16), wg_ref[...].astype(jnp.bfloat16),
        (((1,), (0,)), ((), ())), preferred_element_type=jnp.float32)
    m = jnp.max(logits, axis=1, keepdims=True)
    ex = jnp.exp(logits - m)
    probs = ex / jnp.sum(ex, axis=1, keepdims=True)

    idxs = lax.broadcasted_iota(jnp.int32, (N, E), 1)
    m1 = jnp.max(probs, axis=1, keepdims=True)
    i1 = jnp.min(jnp.where(probs == m1, idxs, E), axis=1, keepdims=True)
    oh1 = (idxs == i1).astype(jnp.float32)
    probs2 = jnp.where(idxs == i1, -jnp.inf, probs)
    m2 = jnp.max(probs2, axis=1, keepdims=True)
    i2 = jnp.min(jnp.where(probs2 == m2, idxs, E), axis=1, keepdims=True)
    oh2 = (idxs == i2).astype(jnp.float32)

    s = m1 + m2 + 1e-9
    w0_ref[...] = jnp.broadcast_to(m1 / s, (N, WREP))
    w1_ref[...] = jnp.broadcast_to(m2 / s, (N, WREP))

    c = oh1 + oh2
    counts = jnp.sum(c, axis=0, keepdims=True)
    mean_prob = jnp.sum(probs, axis=0, keepdims=True) / N
    aux_ref[...] = jnp.reshape(
        jnp.sum((counts / N) * mean_prob) * E, (1, 1))
    cnt_ref[...] = counts.astype(jnp.int32)

    r_i = lax.broadcasted_iota(jnp.int32, (CSH, CSH), 0)
    c_i = lax.broadcasted_iota(jnp.int32, (CSH, CSH), 1)
    tri = (c_i < r_i).astype(jnp.bfloat16)
    carry = jnp.zeros((1, E), jnp.float32)
    excl_parts = []
    for k in range(N // CSH):
        cc = c[k * CSH:(k + 1) * CSH, :]
        excl_parts.append(lax.dot_general(
            tri, cc.astype(jnp.bfloat16), (((1,), (0,)), ((), ())),
            preferred_element_type=jnp.float32) + carry)
        carry = carry + jnp.sum(cc, axis=0, keepdims=True)
    excl = jnp.concatenate(excl_parts, axis=0)

    posf = excl + SEG * idxs.astype(jnp.float32)
    pos0_ref[...] = jnp.sum(oh1 * posf, axis=1, keepdims=True).astype(jnp.int32)
    pos1_ref[...] = jnp.sum(oh2 * posf, axis=1, keepdims=True).astype(jnp.int32)


def _gate_call(x2, Wg):
    return pl.pallas_call(
        _gate_body,
        in_specs=[pl.BlockSpec((N, D), lambda: (0, 0)),
                  pl.BlockSpec((D, E), lambda: (0, 0))],
        out_specs=[pl.BlockSpec((1, 1), lambda: (0, 0)),
                   pl.BlockSpec((1, E), lambda: (0, 0)),
                   pl.BlockSpec((N, 1), lambda: (0, 0)),
                   pl.BlockSpec((N, 1), lambda: (0, 0)),
                   pl.BlockSpec((N, WREP), lambda: (0, 0)),
                   pl.BlockSpec((N, WREP), lambda: (0, 0))],
        out_shape=[jax.ShapeDtypeStruct((1, 1), jnp.float32),
                   jax.ShapeDtypeStruct((1, E), jnp.int32),
                   jax.ShapeDtypeStruct((N, 1), jnp.int32),
                   jax.ShapeDtypeStruct((N, 1), jnp.int32),
                   jax.ShapeDtypeStruct((N, WREP), jnp.float32),
                   jax.ShapeDtypeStruct((N, WREP), jnp.float32)],
    )(x2, Wg)


@functools.lru_cache(maxsize=1)
def _make_dispatch():
    mesh = plsc.VectorSubcoreMesh(core_axis_name="c", subcore_axis_name="s")

    @functools.partial(
        pl.kernel, mesh=mesh,
        out_type=[jax.ShapeDtypeStruct((E * SEG, D), jnp.float32),
                  jax.ShapeDtypeStruct((E * SEG, WREP), jnp.float32)],
        scratch_types=[pltpu.VMEM((TOK_W, D), jnp.float32),
                       pltpu.VMEM((TOK_W, WREP), jnp.float32),
                       pltpu.VMEM((TOK_W, WREP), jnp.float32),
                       pltpu.VMEM((TOK_W,), jnp.int32),
                       pltpu.VMEM((TOK_W,), jnp.int32),
                       pltpu.SemaphoreType.DMA,
                       pltpu.SemaphoreType.DMA])
    def _dispatch(x_hbm, p0_hbm, p1_hbm, w0_hbm, w1_hbm, xs_hbm, ws_hbm,
                  xbuf, wb0, wb1, i0, i1, sem0, sem1):
        wid = lax.axis_index("s") * NC + lax.axis_index("c")
        base = wid * TOK_W
        pltpu.sync_copy(p0_hbm.at[pl.ds(base, TOK_W)], i0)
        pltpu.sync_copy(p1_hbm.at[pl.ds(base, TOK_W)], i1)
        pltpu.sync_copy(x_hbm.at[pl.ds(base, TOK_W)], xbuf)
        cp0 = pltpu.async_copy(xbuf, xs_hbm.at[i0], sem0)
        cp1 = pltpu.async_copy(xbuf, xs_hbm.at[i1], sem1)
        pltpu.sync_copy(w0_hbm.at[pl.ds(base, TOK_W)], wb0)
        pltpu.sync_copy(w1_hbm.at[pl.ds(base, TOK_W)], wb1)
        cp0.wait()
        cp1.wait()
        cp0 = pltpu.async_copy(wb0, ws_hbm.at[i0], sem0)
        cp1 = pltpu.async_copy(wb1, ws_hbm.at[i1], sem1)
        cp0.wait()
        cp1.wait()

    return _dispatch


def _ffn_body(cnt_ref, xs_ref, ws_ref, w1_ref, b1_ref, w2_ref, b2_ref,
              ys_ref):
    e = pl.program_id(0)
    f = pl.program_id(1)
    cnt = cnt_ref[e]
    trips = lax.div(cnt + (CHUNK - 1), CHUNK)
    w1b = w1_ref[0].astype(jnp.bfloat16)
    w2b = w2_ref[0].astype(jnp.bfloat16)

    def body(i, carry):
        rs = pl.ds(i * CHUNK, CHUNK)
        xb = xs_ref[rs, :].astype(jnp.bfloat16)
        h = lax.dot_general(xb, w1b, (((1,), (0,)), ((), ())),
                            preferred_element_type=jnp.float32)
        h = h + b1_ref[0]
        h = 0.5 * h * (1.0 + lax.erf(h * 0.7071067811865476))
        part = lax.dot_general(h.astype(jnp.bfloat16), w2b,
                               (((1,), (0,)), ((), ())),
                               preferred_element_type=jnp.float32)

        @pl.when(f == 0)
        def _():
            ys_ref[rs, :] = part + b2_ref[0]

        @pl.when(f > 0)
        def _():
            ys_ref[rs, :] += part

        @pl.when(f == NF - 1)
        def _():
            ys_ref[rs, :] *= ws_ref[rs, 0:1]

        return carry

    lax.fori_loop(0, trips, body, 0)


def _ffn_call(counts, xs, ws, W1, b1r, W2, b2r):
    grid_spec = pltpu.PrefetchScalarGridSpec(
        num_scalar_prefetch=1,
        grid=(E, NF),
        in_specs=[
            pl.BlockSpec((SEG, D), lambda e, f, cnt: (e, 0)),
            pl.BlockSpec((SEG, WREP), lambda e, f, cnt: (e, 0)),
            pl.BlockSpec((1, D, FBLK), lambda e, f, cnt: (e, 0, f)),
            pl.BlockSpec((1, 1, FBLK), lambda e, f, cnt: (e, 0, f)),
            pl.BlockSpec((1, FBLK, D), lambda e, f, cnt: (e, f, 0)),
            pl.BlockSpec((1, 1, D), lambda e, f, cnt: (e, 0, 0)),
        ],
        out_specs=pl.BlockSpec((SEG, D), lambda e, f, cnt: (e, 0)),
    )
    return pl.pallas_call(
        _ffn_body,
        grid_spec=grid_spec,
        out_shape=jax.ShapeDtypeStruct((E * SEG, D), jnp.float32),
        compiler_params=pltpu.CompilerParams(vmem_limit_bytes=64 * 1024 * 1024),
    )(counts, xs, ws, W1, b1r, W2, b2r)


@functools.lru_cache(maxsize=1)
def _make_combine():
    mesh = plsc.VectorSubcoreMesh(core_axis_name="c", subcore_axis_name="s")

    @functools.partial(
        pl.kernel, mesh=mesh,
        out_type=jax.ShapeDtypeStruct((N, D), jnp.float32),
        scratch_types=[pltpu.VMEM((CSUB, D), jnp.float32),
                       pltpu.VMEM((CSUB, D), jnp.float32),
                       pltpu.VMEM((CSUB,), jnp.int32),
                       pltpu.VMEM((CSUB,), jnp.int32),
                       pltpu.SemaphoreType.DMA,
                       pltpu.SemaphoreType.DMA])
    def _combine(ys_hbm, p0_hbm, p1_hbm, out_hbm, b0, b1, i0, i1, sem0, sem1):
        wid = lax.axis_index("s") * NC + lax.axis_index("c")
        base = wid * TOK_W
        for sub in range(TOK_W // CSUB):
            sb = base + sub * CSUB
            pltpu.sync_copy(p0_hbm.at[pl.ds(sb, CSUB)], i0)
            pltpu.sync_copy(p1_hbm.at[pl.ds(sb, CSUB)], i1)
            cp0 = pltpu.async_copy(ys_hbm.at[i0], b0, sem0)
            cp1 = pltpu.async_copy(ys_hbm.at[i1], b1, sem1)
            cp0.wait()
            cp1.wait()

            @pl.loop(0, CSUB)
            def _(r):
                @pl.loop(0, D, step=16)
                def _(cc):
                    b0[r, pl.ds(cc, 16)] = (b0[r, pl.ds(cc, 16)]
                                            + b1[r, pl.ds(cc, 16)])

            pltpu.sync_copy(b0, out_hbm.at[pl.ds(sb, CSUB)])

    return _combine


@jax.jit
def kernel(x, Wg, W1, b1, W2, b2):
    x2 = x.reshape(N, D)
    aux, cnt2, pos0c, pos1c, w0r, w1r = _gate_call(x2, Wg)
    counts = cnt2.reshape(E)
    pos0 = pos0c.reshape(N)
    pos1 = pos1c.reshape(N)
    xs, ws = _make_dispatch()(x2, pos0, pos1, w0r, w1r)
    ys = _ffn_call(counts, xs, ws, W1, b1.reshape(E, 1, DFF), W2,
                   b2.reshape(E, 1, D))
    out = _make_combine()(ys, pos0, pos1)
    return out.reshape(B, L, D), aux[0, 0]

# --- scband reference (transcript-rebuilt; emitter-appended) ---
"""Pipeline reference for scband-mixture-of-experts-46462956208737 (READ-ONLY COPY).

The authoritative reference and input builder live on the scoring server;
editing this copy changes nothing except your own understanding.
"""

import jax, jax.numpy as jnp
import numpy as np

B, L, D = 1, 2048, 1024
E, K, DFF = 8, 2, 4096

def setup_inputs(seed: int = 0) -> dict:
    key = jax.random.key(seed)
    ks = jax.random.split(key, 6)
    x = jax.random.normal(ks[0], (B, L, D), dtype=jnp.float32)
    Wg = jax.random.normal(ks[1], (D, E), dtype=jnp.float32) * 0.02
    W1 = jax.random.normal(ks[2], (E, D, DFF), dtype=jnp.float32) * 0.02
    b1 = jnp.zeros((E, DFF), dtype=jnp.float32)
    W2 = jax.random.normal(ks[3], (E, DFF, D), dtype=jnp.float32) * 0.02
    b2 = jnp.zeros((E, D), dtype=jnp.float32)
    return {"x": x, "Wg": Wg, "W1": W1, "b1": b1, "W2": W2, "b2": b2}

def reference(x, Wg, W1, b1, W2, b2):
    Bb, Ll, Dd = x.shape
    Ee = Wg.shape[1]
    N = Bb * Ll
    x_flat = x.reshape(N, Dd)
    # gate (no bias)
    logits = x_flat @ Wg
    probs = jax.nn.softmax(logits, axis=-1)
    topk_vals, topk_idx = jax.lax.top_k(probs, K)
    topk_weights = topk_vals / (jnp.sum(topk_vals, axis=-1, keepdims=True) + 1e-09)
    # dispatch mask (scatter ones)
    dispatch_mask = jnp.zeros((N, Ee), dtype=x.dtype).at[jnp.arange(N)[:, None], topk_idx].set(1.0)
    tokens_per_expert = dispatch_mask.mean(axis=0)
    mean_gate_prob = probs.mean(axis=0)
    aux_loss = jnp.sum(tokens_per_expert * mean_gate_prob) * Ee
    # combine weights per (token, expert): sum over k slots routed to e
    onehot = jax.nn.one_hot(topk_idx, Ee, dtype=x.dtype)  # (N, K, E)
    combine = jnp.einsum('nk,nke->ne', topk_weights, onehot)  # (N, E)
    out = jnp.zeros_like(x_flat)
    for e in range(Ee):
        h = jax.nn.gelu(x_flat @ W1[e] + b1[e], approximate=False)
        y = h @ W2[e] + b2[e]
        out = out + combine[:, e:e + 1] * y
    return out.reshape(Bb, Ll, Dd), aux_loss

if __name__ == "__main__":
    import jax
    _d = setup_inputs()
    print(jax.jit(kernel)(*tuple(_d.values())))

</pallas_src>

<mosaic_0001>
#map = affine_map<(d0, d1) -> (0, 0)>
#map1 = affine_map<(d0, d1) -> (0)>
module attributes {stable_mosaic.version = 14 : i64} {
  func.func @_dispatch(%arg0: i32, %arg1: i32, %arg2: memref<2048x1024xf32, #tpu.memory_space<hbm>>, %arg3: memref<2048xi32, #tpu.memory_space<hbm>>, %arg4: memref<2048xi32, #tpu.memory_space<hbm>>, %arg5: memref<2048x128xf32, #tpu.memory_space<hbm>>, %arg6: memref<2048x128xf32, #tpu.memory_space<hbm>>, %arg7: memref<16384x1024xf32, #tpu.memory_space<hbm>>, %arg8: memref<16384x128xf32, #tpu.memory_space<hbm>>, %arg9: memref<64x1024xf32, #tpu.memory_space<vmem>>, %arg10: memref<64x128xf32, #tpu.memory_space<vmem>>, %arg11: memref<64x128xf32, #tpu.memory_space<vmem>>, %arg12: memref<64xi32, #tpu.memory_space<vmem>>, %arg13: memref<64xi32, #tpu.memory_space<vmem>>, %arg14: memref<!tpu.dma_semaphore, #tpu.memory_space<semaphore_mem>>, %arg15: memref<!tpu.dma_semaphore, #tpu.memory_space<semaphore_mem>>) attributes {dimension_semantics = [#tpu.dimension_semantics<core_parallel>, #tpu.dimension_semantics<subcore_parallel>], iteration_bounds = array<i64: 2, 16>, scalar_prefetch = 0 : i64, scratch_operands = 7 : i64, tpu.core_type = #tpu.core_type<sc_vector_subcore>, window_params = [{transform_indices = #map}, {transform_indices = #map1}, {transform_indices = #map1}, {transform_indices = #map}, {transform_indices = #map}, {transform_indices = #map}, {transform_indices = #map}]} {
    %mul3A = arith.constant 2 : i32
    %mul3A_0 = arith.muli %arg1, %mul3A : i32
    %add3A = arith.addi %mul3A_0, %arg0 : i32
    %mul3A_1 = arith.constant 64 : i32
    %mul3A_2 = arith.muli %add3A, %mul3A_1 : i32
    "tpu.region"() ({
      %run_scoped3A = tpu.sem_alloc : memref<!tpu.dma_semaphore, #tpu.memory_space<semaphore_mem>>
      %dma_start3A_25 = tpu.memref_slice %arg3[%mul3A_2] : memref<2048xi32, #tpu.memory_space<hbm>> -> memref<64xi32, #tpu.memory_space<hbm>>
      %dma_start3A_26 = tpu.memref_slice %arg3[%mul3A_2] : memref<2048xi32, #tpu.memory_space<hbm>> -> memref<64xi32, #tpu.memory_space<hbm>>
      tpu.enqueue_dma source(%dma_start3A_26 : memref<64xi32, #tpu.memory_space<hbm>>) target(%arg12 : memref<64xi32, #tpu.memory_space<vmem>>) target_semaphore(%run_scoped3A : memref<!tpu.dma_semaphore, #tpu.memory_space<semaphore_mem>>)
      %dma_wait3A_27 = tpu.memref_slice %arg3[%mul3A_2] : memref<2048xi32, #tpu.memory_space<hbm>> -> memref<64xi32, #tpu.memory_space<hbm>>
      %dma_wait3A_28 = tpu.memref_slice %arg3[%mul3A_2] : memref<2048xi32, #tpu.memory_space<hbm>> -> memref<64xi32, #tpu.memory_space<hbm>>
      tpu.wait_dma2 semaphore(%run_scoped3A : memref<!tpu.dma_semaphore, #tpu.memory_space<semaphore_mem>>) src(%dma_wait3A_28 : memref<64xi32, #tpu.memory_space<hbm>>) dst(%arg12 : memref<64xi32, #tpu.memory_space<vmem>>)
      tpu.yield
    }) : () -> ()
    "tpu.region"() ({
      %run_scoped3A = tpu.sem_alloc : memref<!tpu.dma_semaphore, #tpu.memory_space<semaphore_mem>>
      %dma_start3A_25 = tpu.memref_slice %arg4[%mul3A_2] : memref<2048xi32, #tpu.memory_space<hbm>> -> memref<64xi32, #tpu.memory_space<hbm>>
      %dma_start3A_26 = tpu.memref_slice %arg4[%mul3A_2] : memref<2048xi32, #tpu.memory_space<hbm>> -> memref<64xi32, #tpu.memory_space<hbm>>
      tpu.enqueue_dma source(%dma_start3A_26 : memref<64xi32, #tpu.memory_space<hbm>>) target(%arg13 : memref<64xi32, #tpu.memory_space<vmem>>) target_semaphore(%run_scoped3A : memref<!tpu.dma_semaphore, #tpu.memory_space<semaphore_mem>>)
      %dma_wait3A_27 = tpu.memref_slice %arg4[%mul3A_2] : memref<2048xi32, #tpu.memory_space<hbm>> -> memref<64xi32, #tpu.memory_space<hbm>>
      %dma_wait3A_28 = tpu.memref_slice %arg4[%mul3A_2] : memref<2048xi32, #tpu.memory_space<hbm>> -> memref<64xi32, #tpu.memory_space<hbm>>
      tpu.wait_dma2 semaphore(%run_scoped3A : memref<!tpu.dma_semaphore, #tpu.memory_space<semaphore_mem>>) src(%dma_wait3A_28 : memref<64xi32, #tpu.memory_space<hbm>>) dst(%arg13 : memref<64xi32, #tpu.memory_space<vmem>>)
      tpu.yield
    }) : () -> ()
    "tpu.region"() ({
      %run_scoped3A = tpu.sem_alloc : memref<!tpu.dma_semaphore, #tpu.memory_space<semaphore_mem>>
      %dma_start3A_25 = arith.constant 0 : i32
      %dma_start3A_26 = tpu.memref_slice %arg2[%mul3A_2, %dma_start3A_25] : memref<2048x1024xf32, #tpu.memory_space<hbm>> -> memref<64x1024xf32, #tpu.memory_space<hbm>>
      %dma_start3A_27 = arith.constant 0 : i32
      %dma_start3A_28 = tpu.memref_slice %arg2[%mul3A_2, %dma_start3A_27] : memref<2048x1024xf32, #tpu.memory_space<hbm>> -> memref<64x1024xf32, #tpu.memory_space<hbm>>
      tpu.enqueue_dma source(%dma_start3A_28 : memref<64x1024xf32, #tpu.memory_space<hbm>>) target(%arg9 : memref<64x1024xf32, #tpu.memory_space<vmem>>) target_semaphore(%run_scoped3A : memref<!tpu.dma_semaphore, #tpu.memory_space<semaphore_mem>>)
      %dma_wait3A_29 = arith.constant 0 : i32
      %dma_wait3A_30 = tpu.memref_slice %arg2[%mul3A_2, %dma_wait3A_29] : memref<2048x1024xf32, #tpu.memory_space<hbm>> -> memref<64x1024xf32, #tpu.memory_space<hbm>>
      %dma_wait3A_31 = arith.constant 0 : i32
      %dma_wait3A_32 = tpu.memref_slice %arg2[%mul3A_2, %dma_wait3A_31] : memref<2048x1024xf32, #tpu.memory_space<hbm>> -> memref<64x1024xf32, #tpu.memory_space<hbm>>
      tpu.wait_dma2 semaphore(%run_scoped3A : memref<!tpu.dma_semaphore, #tpu.memory_space<semaphore_mem>>) src(%dma_wait3A_32 : memref<64x1024xf32, #tpu.memory_space<hbm>>) dst(%arg9 : memref<64x1024xf32, #tpu.memory_space<vmem>>)
      tpu.yield
    }) : () -> ()
    %dma_start3A = arith.constant 0 : i32
    %dma_start3A_3 = arith.constant 0 : i32
    %dma_start3A_4 = tpu.memref_slice %arg7[%dma_start3A, %dma_start3A_3] : memref<16384x1024xf32, #tpu.memory_space<hbm>> -> memref<16384x1024xf32, #tpu.memory_space<hbm>>
    tpu.enqueue_indirect_dma source(%arg9 : memref<64x1024xf32, #tpu.memory_space<vmem>>) target(%dma_start3A_4 : memref<16384x1024xf32, #tpu.memory_space<hbm>>) offsets(%arg12 : memref<64xi32, #tpu.memory_space<vmem>>) semaphore(%arg14 : memref<!tpu.dma_semaphore, #tpu.memory_space<semaphore_mem>>)
    %dma_start3A_5 = arith.constant 0 : i32
    %dma_start3A_6 = arith.constant 0 : i32
    %dma_start3A_7 = tpu.memref_slice %arg7[%dma_start3A_5, %dma_start3A_6] : memref<16384x1024xf32, #tpu.memory_space<hbm>> -> memref<16384x1024xf32, #tpu.memory_space<hbm>>
    tpu.enqueue_indirect_dma source(%arg9 : memref<64x1024xf32, #tpu.memory_space<vmem>>) target(%dma_start3A_7 : memref<16384x1024xf32, #tpu.memory_space<hbm>>) offsets(%arg13 : memref<64xi32, #tpu.memory_space<vmem>>) semaphore(%arg15 : memref<!tpu.dma_semaphore, #tpu.memory_space<semaphore_mem>>)
    "tpu.region"() ({
      %run_scoped3A = tpu.sem_alloc : memref<!tpu.dma_semaphore, #tpu.memory_space<semaphore_mem>>
      %dma_start3A_25 = arith.constant 0 : i32
      %dma_start3A_26 = tpu.memref_slice %arg5[%mul3A_2, %dma_start3A_25] : memref<2048x128xf32, #tpu.memory_space<hbm>> -> memref<64x128xf32, #tpu.memory_space<hbm>>
      %dma_start3A_27 = arith.constant 0 : i32
      %dma_start3A_28 = tpu.memref_slice %arg5[%mul3A_2, %dma_start3A_27] : memref<2048x128xf32, #tpu.memory_space<hbm>> -> memref<64x128xf32, #tpu.memory_space<hbm>>
      tpu.enqueue_dma source(%dma_start3A_28 : memref<64x128xf32, #tpu.memory_space<hbm>>) target(%arg10 : memref<64x128xf32, #tpu.memory_space<vmem>>) target_semaphore(%run_scoped3A : memref<!tpu.dma_semaphore, #tpu.memory_space<semaphore_mem>>)
      %dma_wait3A_29 = arith.constant 0 : i32
      %dma_wait3A_30 = tpu.memref_slice %arg5[%mul3A_2, %dma_wait3A_29] : memref<2048x128xf32, #tpu.memory_space<hbm>> -> memref<64x128xf32, #tpu.memory_space<hbm>>
      %dma_wait3A_31 = arith.constant 0 : i32
      %dma_wait3A_32 = tpu.memref_slice %arg5[%mul3A_2, %dma_wait3A_31] : memref<2048x128xf32, #tpu.memory_space<hbm>> -> memref<64x128xf32, #tpu.memory_space<hbm>>
      tpu.wait_dma2 semaphore(%run_scoped3A : memref<!tpu.dma_semaphore, #tpu.memory_space<semaphore_mem>>) src(%dma_wait3A_32 : memref<64x128xf32, #tpu.memory_space<hbm>>) dst(%arg10 : memref<64x128xf32, #tpu.memory_space<vmem>>)
      tpu.yield
    }) : () -> ()
    "tpu.region"() ({
      %run_scoped3A = tpu.sem_alloc : memref<!tpu.dma_semaphore, #tpu.memory_space<semaphore_mem>>
      %dma_start3A_25 = arith.constant 0 : i32
      %dma_start3A_26 = tpu.memref_slice %arg6[%mul3A_2, %dma_start3A_25] : memref<2048x128xf32, #tpu.memory_space<hbm>> -> memref<64x128xf32, #tpu.memory_space<hbm>>
      %dma_start3A_27 = arith.constant 0 : i32
      %dma_start3A_28 = tpu.memref_slice %arg6[%mul3A_2, %dma_start3A_27] : memref<2048x128xf32, #tpu.memory_space<hbm>> -> memref<64x128xf32, #tpu.memory_space<hbm>>
      tpu.enqueue_dma source(%dma_start3A_28 : memref<64x128xf32, #tpu.memory_space<hbm>>) target(%arg11 : memref<64x128xf32, #tpu.memory_space<vmem>>) target_semaphore(%run_scoped3A : memref<!tpu.dma_semaphore, #tpu.memory_space<semaphore_mem>>)
      %dma_wait3A_29 = arith.constant 0 : i32
      %dma_wait3A_30 = tpu.memref_slice %arg6[%mul3A_2, %dma_wait3A_29] : memref<2048x128xf32, #tpu.memory_space<hbm>> -> memref<64x128xf32, #tpu.memory_space<hbm>>
      %dma_wait3A_31 = arith.constant 0 : i32
      %dma_wait3A_32 = tpu.memref_slice %arg6[%mul3A_2, %dma_wait3A_31] : memref<2048x128xf32, #tpu.memory_space<hbm>> -> memref<64x128xf32, #tpu.memory_space<hbm>>
      tpu.wait_dma2 semaphore(%run_scoped3A : memref<!tpu.dma_semaphore, #tpu.memory_space<semaphore_mem>>) src(%dma_wait3A_32 : memref<64x128xf32, #tpu.memory_space<hbm>>) dst(%arg11 : memref<64x128xf32, #tpu.memory_space<vmem>>)
      tpu.yield
    }) : () -> ()
    %dma_wait3A = arith.constant 0 : i32
    %dma_wait3A_8 = arith.constant 0 : i32
    %dma_wait3A_9 = tpu.memref_slice %arg7[%dma_wait3A, %dma_wait3A_8] : memref<16384x1024xf32, #tpu.memory_space<hbm>> -> memref<16384x1024xf32, #tpu.memory_space<hbm>>
    tpu.wait_indirect_dma semaphore(%arg14 : memref<!tpu.dma_semaphore, #tpu.memory_space<semaphore_mem>>) src(%arg9 : memref<64x1024xf32, #tpu.memory_space<vmem>>) dst(%dma_wait3A_9 : memref<16384x1024xf32, #tpu.memory_space<hbm>>)
    %dma_wait3A_10 = arith.constant 0 : i32
    %dma_wait3A_11 = arith.constant 0 : i32
    %dma_wait3A_12 = tpu.memref_slice %arg7[%dma_wait3A_10, %dma_wait3A_11] : memref<16384x1024xf32, #tpu.memory_space<hbm>> -> memref<16384x1024xf32, #tpu.memory_space<hbm>>
    tpu.wait_indirect_dma semaphore(%arg15 : memref<!tpu.dma_semaphore, #tpu.memory_space<semaphore_mem>>) src(%arg9 : memref<64x1024xf32, #tpu.memory_space<vmem>>) dst(%dma_wait3A_12 : memref<16384x1024xf32, #tpu.memory_space<hbm>>)
    %dma_start3A_13 = arith.constant 0 : i32
    %dma_start3A_14 = arith.constant 0 : i32
    %dma_start3A_15 = tpu.memref_slice %arg8[%dma_start3A_13, %dma_start3A_14] : memref<16384x128xf32, #tpu.memory_space<hbm>> -> memref<16384x128xf32, #tpu.memory_space<hbm>>
    tpu.enqueue_indirect_dma source(%arg10 : memref<64x128xf32, #tpu.memory_space<vmem>>) target(%dma_start3A_15 : memref<16384x128xf32, #tpu.memory_space<hbm>>) offsets(%arg12 : memref<64xi32, #tpu.memory_space<vmem>>) semaphore(%arg14 : memref<!tpu.dma_semaphore, #tpu.memory_space<semaphore_mem>>)
    %dma_start3A_16 = arith.constant 0 : i32
    %dma_start3A_17 = arith.constant 0 : i32
    %dma_start3A_18 = tpu.memref_slice %arg8[%dma_start3A_16, %dma_start3A_17] : memref<16384x128xf32, #tpu.memory_space<hbm>> -> memref<16384x128xf32, #tpu.memory_space<hbm>>
    tpu.enqueue_indirect_dma source(%arg11 : memref<64x128xf32, #tpu.memory_space<vmem>>) target(%dma_start3A_18 : memref<16384x128xf32, #tpu.memory_space<hbm>>) offsets(%arg13 : memref<64xi32, #tpu.memory_space<vmem>>) semaphore(%arg15 : memref<!tpu.dma_semaphore, #tpu.memory_space<semaphore_mem>>)
    %dma_wait3A_19 = arith.constant 0 : i32
    %dma_wait3A_20 = arith.constant 0 : i32
    %dma_wait3A_21 = tpu.memref_slice %arg8[%dma_wait3A_19, %dma_wait3A_20] : memref<16384x128xf32, #tpu.memory_space<hbm>> -> memref<16384x128xf32, #tpu.memory_space<hbm>>
    tpu.wait_indirect_dma semaphore(%arg14 : memref<!tpu.dma_semaphore, #tpu.memory_space<semaphore_mem>>) src(%arg10 : memref<64x128xf32, #tpu.memory_space<vmem>>) dst(%dma_wait3A_21 : memref<16384x128xf32, #tpu.memory_space<hbm>>)
    %dma_wait3A_22 = arith.constant 0 : i32
    %dma_wait3A_23 = arith.constant 0 : i32
    %dma_wait3A_24 = tpu.memref_slice %arg8[%dma_wait3A_22, %dma_wait3A_23] : memref<16384x128xf32, #tpu.memory_space<hbm>> -> memref<16384x128xf32, #tpu.memory_space<hbm>>
    tpu.wait_indirect_dma semaphore(%arg15 : memref<!tpu.dma_semaphore, #tpu.memory_space<semaphore_mem>>) src(%arg11 : memref<64x128xf32, #tpu.memory_space<vmem>>) dst(%dma_wait3A_24 : memref<16384x128xf32, #tpu.memory_space<hbm>>)
    return
  }
}

#map = affine_map<(d0, d1) -> (0, 0)>
#map1 = affine_map<(d0, d1) -> (0)>
module attributes {stable_mosaic.version = 14 : i64} {
  func.func @_combine(%arg0: i32, %arg1: i32, %arg2: memref<16384x1024xf32, #tpu.memory_space<hbm>>, %arg3: memref<2048xi32, #tpu.memory_space<hbm>>, %arg4: memref<2048xi32, #tpu.memory_space<hbm>>, %arg5: memref<2048x1024xf32, #tpu.memory_space<hbm>>, %arg6: memref<32x1024xf32, #tpu.memory_space<vmem>>, %arg7: memref<32x1024xf32, #tpu.memory_space<vmem>>, %arg8: memref<32xi32, #tpu.memory_space<vmem>>, %arg9: memref<32xi32, #tpu.memory_space<vmem>>, %arg10: memref<!tpu.dma_semaphore, #tpu.memory_space<semaphore_mem>>, %arg11: memref<!tpu.dma_semaphore, #tpu.memory_space<semaphore_mem>>) attributes {dimension_semantics = [#tpu.dimension_semantics<core_parallel>, #tpu.dimension_semantics<subcore_parallel>], iteration_bounds = array<i64: 2, 16>, scalar_prefetch = 0 : i64, scratch_operands = 6 : i64, tpu.core_type = #tpu.core_type<sc_vector_subcore>, window_params = [{transform_indices = #map}, {transform_indices = #map1}, {transform_indices = #map1}, {transform_indices = #map}]} {
    %mul3A = arith.constant 2 : i32
    %mul3A_0 = arith.muli %arg1, %mul3A : i32
    %add3A = arith.addi %mul3A_0, %arg0 : i32
    %mul3A_1 = arith.constant 64 : i32
    %mul3A_2 = arith.muli %add3A, %mul3A_1 : i32
    %add3A_3 = arith.constant 0 : i32
    %add3A_4 = arith.addi %mul3A_2, %add3A_3 : i32
    "tpu.region"() ({
      %run_scoped3A = tpu.sem_alloc : memref<!tpu.dma_semaphore, #tpu.memory_space<semaphore_mem>>
      %dma_start3A_38 = tpu.memref_slice %arg3[%add3A_4] : memref<2048xi32, #tpu.memory_space<hbm>> -> memref<32xi32, #tpu.memory_space<hbm>>
      %dma_start3A_39 = tpu.memref_slice %arg3[%add3A_4] : memref<2048xi32, #tpu.memory_space<hbm>> -> memref<32xi32, #tpu.memory_space<hbm>>
      tpu.enqueue_dma source(%dma_start3A_39 : memref<32xi32, #tpu.memory_space<hbm>>) target(%arg8 : memref<32xi32, #tpu.memory_space<vmem>>) target_semaphore(%run_scoped3A : memref<!tpu.dma_semaphore, #tpu.memory_space<semaphore_mem>>)
      %dma_wait3A_40 = tpu.memref_slice %arg3[%add3A_4] : memref<2048xi32, #tpu.memory_space<hbm>> -> memref<32xi32, #tpu.memory_space<hbm>>
      %dma_wait3A_41 = tpu.memref_slice %arg3[%add3A_4] : memref<2048xi32, #tpu.memory_space<hbm>> -> memref<32xi32, #tpu.memory_space<hbm>>
      tpu.wait_dma2 semaphore(%run_scoped3A : memref<!tpu.dma_semaphore, #tpu.memory_space<semaphore_mem>>) src(%dma_wait3A_41 : memref<32xi32, #tpu.memory_space<hbm>>) dst(%arg8 : memref<32xi32, #tpu.memory_space<vmem>>)
      tpu.yield
    }) : () -> ()
    "tpu.region"() ({
      %run_scoped3A = tpu.sem_alloc : memref<!tpu.dma_semaphore, #tpu.memory_space<semaphore_mem>>
      %dma_start3A_38 = tpu.memref_slice %arg4[%add3A_4] : memref<2048xi32, #tpu.memory_space<hbm>> -> memref<32xi32, #tpu.memory_space<hbm>>
      %dma_start3A_39 = tpu.memref_slice %arg4[%add3A_4] : memref<2048xi32, #tpu.memory_space<hbm>> -> memref<32xi32, #tpu.memory_space<hbm>>
      tpu.enqueue_dma source(%dma_start3A_39 : memref<32xi32, #tpu.memory_space<hbm>>) target(%arg9 : memref<32xi32, #tpu.memory_space<vmem>>) target_semaphore(%run_scoped3A : memref<!tpu.dma_semaphore, #tpu.memory_space<semaphore_mem>>)
      %dma_wait3A_40 = tpu.memref_slice %arg4[%add3A_4] : memref<2048xi32, #tpu.memory_space<hbm>> -> memref<32xi32, #tpu.memory_space<hbm>>
      %dma_wait3A_41 = tpu.memref_slice %arg4[%add3A_4] : memref<2048xi32, #tpu.memory_space<hbm>> -> memref<32xi32, #tpu.memory_space<hbm>>
      tpu.wait_dma2 semaphore(%run_scoped3A : memref<!tpu.dma_semaphore, #tpu.memory_space<semaphore_mem>>) src(%dma_wait3A_41 : memref<32xi32, #tpu.memory_space<hbm>>) dst(%arg9 : memref<32xi32, #tpu.memory_space<vmem>>)
      tpu.yield
    }) : () -> ()
    %dma_start3A = arith.constant 0 : i32
    %dma_start3A_5 = arith.constant 0 : i32
    %dma_start3A_6 = tpu.memref_slice %arg2[%dma_start3A, %dma_start3A_5] : memref<16384x1024xf32, #tpu.memory_space<hbm>> -> memref<16384x1024xf32, #tpu.memory_space<hbm>>
    tpu.enqueue_indirect_dma source(%dma_start3A_6 : memref<16384x1024xf32, #tpu.memory_space<hbm>>) target(%arg6 : memref<32x1024xf32, #tpu.memory_space<vmem>>) offsets(%arg8 : memref<32xi32, #tpu.memory_space<vmem>>) semaphore(%arg10 : memref<!tpu.dma_semaphore, #tpu.memory_space<semaphore_mem>>)
    %dma_start3A_7 = arith.constant 0 : i32
    %dma_start3A_8 = arith.constant 0 : i32
    %dma_start3A_9 = tpu.memref_slice %arg2[%dma_start3A_7, %dma_start3A_8] : memref<16384x1024xf32, #tpu.memory_space<hbm>> -> memref<16384x1024xf32, #tpu.memory_space<hbm>>
    tpu.enqueue_indirect_dma source(%dma_start3A_9 : memref<16384x1024xf32, #tpu.memory_space<hbm>>) target(%arg7 : memref<32x1024xf32, #tpu.memory_space<vmem>>) offsets(%arg9 : memref<32xi32, #tpu.memory_space<vmem>>) semaphore(%arg11 : memref<!tpu.dma_semaphore, #tpu.memory_space<semaphore_mem>>)
    %dma_wait3A = arith.constant 0 : i32
    %dma_wait3A_10 = arith.constant 0 : i32
    %dma_wait3A_11 = tpu.memref_slice %arg2[%dma_wait3A, %dma_wait3A_10] : memref<16384x1024xf32, #tpu.memory_space<hbm>> -> memref<16384x1024xf32, #tpu.memory_space<hbm>>
    tpu.wait_indirect_dma semaphore(%arg10 : memref<!tpu.dma_semaphore, #tpu.memory_space<semaphore_mem>>) src(%dma_wait3A_11 : memref<16384x1024xf32, #tpu.memory_space<hbm>>) dst(%arg6 : memref<32x1024xf32, #tpu.memory_space<vmem>>)
    %dma_wait3A_12 = arith.constant 0 : i32
    %dma_wait3A_13 = arith.constant 0 : i32
    %dma_wait3A_14 = tpu.memref_slice %arg2[%dma_wait3A_12, %dma_wait3A_13] : memref<16384x1024xf32, #tpu.memory_space<hbm>> -> memref<16384x1024xf32, #tpu.memory_space<hbm>>
    tpu.wait_indirect_dma semaphore(%arg11 : memref<!tpu.dma_semaphore, #tpu.memory_space<semaphore_mem>>) src(%dma_wait3A_14 : memref<16384x1024xf32, #tpu.memory_space<hbm>>) dst(%arg7 : memref<32x1024xf32, #tpu.memory_space<vmem>>)
    %scan3A = arith.constant 0 : i32
    %scan3A_15 = arith.constant 32 : i32
    %scan3A_16 = arith.addi %scan3A, %scan3A_15 : i32
    %scan3A_17 = arith.constant 1 : i32
    scf.for %scan3A_38 = %scan3A to %scan3A_16 step %scan3A_17  : i32 {
      %mul3A_39 = arith.constant 1 : i32
      %mul3A_40 = arith.muli %scan3A_38, %mul3A_39 : i32
      %add3A_41 = arith.constant 0 : i32
      %add3A_42 = arith.addi %add3A_41, %mul3A_40 : i32
      %scan3A_43 = arith.constant 0 : i32
      %scan3A_44 = arith.constant 64 : i32
      %scan3A_45 = arith.addi %scan3A_43, %scan3A_44 : i32
      %scan3A_46 = arith.constant 1 : i32
      scf.for %scan3A_48 = %scan3A_43 to %scan3A_45 step %scan3A_46  : i32 {
        %mul3A_49 = arith.constant 16 : i32
        %mul3A_50 = arith.muli %scan3A_48, %mul3A_49 : i32
        %add3A_51 = arith.constant 0 : i32
        %add3A_52 = arith.addi %add3A_51, %mul3A_50 : i32
        %get3A = arith.index_cast %add3A_42 : i32 to index
        %get3A_53 = arith.index_cast %add3A_52 : i32 to index
        %get3A_54 = tpu.vector_load %arg6[%get3A, %get3A_53] {strides = array<i32>} : memref<32x1024xf32, #tpu.memory_space<vmem>>, vector<1x16xf32>,
        %get3A_55 = vector.shape_cast %get3A_54 : vector<1x16xf32> to vector<16xf32>
        %get3A_56 = arith.index_cast %add3A_42 : i32 to index
        %get3A_57 = arith.index_cast %add3A_52 : i32 to index
        %get3A_58 = tpu.vector_load %arg7[%get3A_56, %get3A_57] {strides = array<i32>} : memref<32x1024xf32, #tpu.memory_space<vmem>>, vector<1x16xf32>,
        %get3A_59 = vector.shape_cast %get3A_58 : vector<1x16xf32> to vector<16xf32>
        %add3A_60 = arith.addf %get3A_55, %get3A_59 : vector<16xf32>
        %swap3A = arith.index_cast %add3A_42 : i32 to index
        %swap3A_61 = arith.index_cast %add3A_52 : i32 to index
        %swap3A_62 = tpu.vector_load %arg6[%swap3A, %swap3A_61] {strides = array<i32>} : memref<32x1024xf32, #tpu.memory_space<vmem>>, vector<1x16xf32>,
        %swap3A_63 = vector.shape_cast %swap3A_62 : vector<1x16xf32> to vector<16xf32>
        %swap3A_64 = vector.shape_cast %add3A_60 : vector<16xf32> to vector<1x16xf32>
        tpu.vector_store %arg6[%swap3A, %swap3A_61], %swap3A_64 {strides = array<i32>} : memref<32x1024xf32, #tpu.memory_space<vmem>>, vector<1x16xf32>,
      }
      %scan3A_47 = arith.constant 64 : i32
    }
    %scan3A_18 = arith.constant 32 : i32
    "tpu.region"() ({
      %run_scoped3A = tpu.sem_alloc : memref<!tpu.dma_semaphore, #tpu.memory_space<semaphore_mem>>
      %dma_start3A_38 = arith.constant 0 : i32
      %dma_start3A_39 = tpu.memref_slice %arg5[%add3A_4, %dma_start3A_38] : memref<2048x1024xf32, #tpu.memory_space<hbm>> -> memref<32x1024xf32, #tpu.memory_space<hbm>>
      %dma_start3A_40 = arith.constant 0 : i32
      %dma_start3A_41 = tpu.memref_slice %arg5[%add3A_4, %dma_start3A_40] : memref<2048x1024xf32, #tpu.memory_space<hbm>> -> memref<32x1024xf32, #tpu.memory_space<hbm>>
      tpu.enqueue_dma source(%arg6 : memref<32x1024xf32, #tpu.memory_space<vmem>>) target(%dma_start3A_41 : memref<32x1024xf32, #tpu.memory_space<hbm>>) target_semaphore(%run_scoped3A : memref<!tpu.dma_semaphore, #tpu.memory_space<semaphore_mem>>)
      %dma_wait3A_42 = arith.constant 0 : i32
      %dma_wait3A_43 = tpu.memref_slice %arg5[%add3A_4, %dma_wait3A_42] : memref<2048x1024xf32, #tpu.memory_space<hbm>> -> memref<32x1024xf32, #tpu.memory_space<hbm>>
      %dma_wait3A_44 = arith.constant 0 : i32
      %dma_wait3A_45 = tpu.memref_slice %arg5[%add3A_4, %dma_wait3A_44] : memref<2048x1024xf32, #tpu.memory_space<hbm>> -> memref<32x1024xf32, #tpu.memory_space<hbm>>
      tpu.wait_dma2 semaphore(%run_scoped3A : memref<!tpu.dma_semaphore, #tpu.memory_space<semaphore_mem>>) src(%arg6 : memref<32x1024xf32, #tpu.memory_space<vmem>>) dst(%dma_wait3A_45 : memref<32x1024xf32, #tpu.memory_space<hbm>>)
      tpu.yield
    }) : () -> ()
    %add3A_19 = arith.constant 32 : i32
    %add3A_20 = arith.addi %mul3A_2, %add3A_19 : i32
    "tpu.region"() ({
      %run_scoped3A = tpu.sem_alloc : memref<!tpu.dma_semaphore, #tpu.memory_space<semaphore_mem>>
      %dma_start3A_38 = tpu.memref_slice %arg3[%add3A_20] : memref<2048xi32, #tpu.memory_space<hbm>> -> memref<32xi32, #tpu.memory_space<hbm>>
      %dma_start3A_39 = tpu.memref_slice %arg3[%add3A_20] : memref<2048xi32, #tpu.memory_space<hbm>> -> memref<32xi32, #tpu.memory_space<hbm>>
      tpu.enqueue_dma source(%dma_start3A_39 : memref<32xi32, #tpu.memory_space<hbm>>) target(%arg8 : memref<32xi32, #tpu.memory_space<vmem>>) target_semaphore(%run_scoped3A : memref<!tpu.dma_semaphore, #tpu.memory_space<semaphore_mem>>)
      %dma_wait3A_40 = tpu.memref_slice %arg3[%add3A_20] : memref<2048xi32, #tpu.memory_space<hbm>> -> memref<32xi32, #tpu.memory_space<hbm>>
      %dma_wait3A_41 = tpu.memref_slice %arg3[%add3A_20] : memref<2048xi32, #tpu.memory_space<hbm>> -> memref<32xi32, #tpu.memory_space<hbm>>
      tpu.wait_dma2 semaphore(%run_scoped3A : memref<!tpu.dma_semaphore, #tpu.memory_space<semaphore_mem>>) src(%dma_wait3A_41 : memref<32xi32, #tpu.memory_space<hbm>>) dst(%arg8 : memref<32xi32, #tpu.memory_space<vmem>>)
      tpu.yield
    }) : () -> ()
    "tpu.region"() ({
      %run_scoped3A = tpu.sem_alloc : memref<!tpu.dma_semaphore, #tpu.memory_space<semaphore_mem>>
      %dma_start3A_38 = tpu.memref_slice %arg4[%add3A_20] : memref<2048xi32, #tpu.memory_space<hbm>> -> memref<32xi32, #tpu.memory_space<hbm>>
      %dma_start3A_39 = tpu.memref_slice %arg4[%add3A_20] : memref<2048xi32, #tpu.memory_space<hbm>> -> memref<32xi32, #tpu.memory_space<hbm>>
      tpu.enqueue_dma source(%dma_start3A_39 : memref<32xi32, #tpu.memory_space<hbm>>) target(%arg9 : memref<32xi32, #tpu.memory_space<vmem>>) target_semaphore(%run_scoped3A : memref<!tpu.dma_semaphore, #tpu.memory_space<semaphore_mem>>)
      %dma_wait3A_40 = tpu.memref_slice %arg4[%add3A_20] : memref<2048xi32, #tpu.memory_space<hbm>> -> memref<32xi32, #tpu.memory_space<hbm>>
      %dma_wait3A_41 = tpu.memref_slice %arg4[%add3A_20] : memref<2048xi32, #tpu.memory_space<hbm>> -> memref<32xi32, #tpu.memory_space<hbm>>
      tpu.wait_dma2 semaphore(%run_scoped3A : memref<!tpu.dma_semaphore, #tpu.memory_space<semaphore_mem>>) src(%dma_wait3A_41 : memref<32xi32, #tpu.memory_space<hbm>>) dst(%arg9 : memref<32xi32, #tpu.memory_space<vmem>>)
      tpu.yield
    }) : () -> ()
    %dma_start3A_21 = arith.constant 0 : i32
    %dma_start3A_22 = arith.constant 0 : i32
    %dma_start3A_23 = tpu.memref_slice %arg2[%dma_start3A_21, %dma_start3A_22] : memref<16384x1024xf32, #tpu.memory_space<hbm>> -> memref<16384x1024xf32, #tpu.memory_space<hbm>>
    tpu.enqueue_indirect_dma source(%dma_start3A_23 : memref<16384x1024xf32, #tpu.memory_space<hbm>>) target(%arg6 : memref<32x1024xf32, #tpu.memory_space<vmem>>) offsets(%arg8 : memref<32xi32, #tpu.memory_space<vmem>>) semaphore(%arg10 : memref<!tpu.dma_semaphore, #tpu.memory_space<semaphore_mem>>)
    %dma_start3A_24 = arith.constant 0 : i32
    %dma_start3A_25 = arith.constant 0 : i32
    %dma_start3A_26 = tpu.memref_slice %arg2[%dma_start3A_24, %dma_start3A_25] : memref<16384x1024xf32, #tpu.memory_space<hbm>> -> memref<16384x1024xf32, #tpu.memory_space<hbm>>
    tpu.enqueue_indirect_dma source(%dma_start3A_26 : memref<16384x1024xf32, #tpu.memory_space<hbm>>) target(%arg7 : memref<32x1024xf32, #tpu.memory_space<vmem>>) offsets(%arg9 : memref<32xi32, #tpu.memory_space<vmem>>) semaphore(%arg11 : memref<!tpu.dma_semaphore, #tpu.memory_space<semaphore_mem>>)
    %dma_wait3A_27 = arith.constant 0 : i32
    %dma_wait3A_28 = arith.constant 0 : i32
    %dma_wait3A_29 = tpu.memref_slice %arg2[%dma_wait3A_27, %dma_wait3A_28] : memref<16384x1024xf32, #tpu.memory_space<hbm>> -> memref<16384x1024xf32, #tpu.memory_space<hbm>>
    tpu.wait_indirect_dma semaphore(%arg10 : memref<!tpu.dma_semaphore, #tpu.memory_space<semaphore_mem>>) src(%dma_wait3A_29 : memref<16384x1024xf32, #tpu.memory_space<hbm>>) dst(%arg6 : memref<32x1024xf32, #tpu.memory_space<vmem>>)
    %dma_wait3A_30 = arith.constant 0 : i32
    %dma_wait3A_31 = arith.constant 0 : i32
    %dma_wait3A_32 = tpu.memref_slice %arg2[%dma_wait3A_30, %dma_wait3A_31] : memref<16384x1024xf32, #tpu.memory_space<hbm>> -> memref<16384x1024xf32, #tpu.memory_space<hbm>>
    tpu.wait_indirect_dma semaphore(%arg11 : memref<!tpu.dma_semaphore, #tpu.memory_space<semaphore_mem>>) src(%dma_wait3A_32 : memref<16384x1024xf32, #tpu.memory_space<hbm>>) dst(%arg7 : memref<32x1024xf32, #tpu.memory_space<vmem>>)
    %scan3A_33 = arith.constant 0 : i32
    %scan3A_34 = arith.constant 32 : i32
    %scan3A_35 = arith.addi %scan3A_33, %scan3A_34 : i32
    %scan3A_36 = arith.constant 1 : i32
    scf.for %scan3A_38 = %scan3A_33 to %scan3A_35 step %scan3A_36  : i32 {
      %mul3A_39 = arith.constant 1 : i32
      %mul3A_40 = arith.muli %scan3A_38, %mul3A_39 : i32
      %add3A_41 = arith.constant 0 : i32
      %add3A_42 = arith.addi %add3A_41, %mul3A_40 : i32
      %scan3A_43 = arith.constant 0 : i32
      %scan3A_44 = arith.constant 64 : i32
      %scan3A_45 = arith.addi %scan3A_43, %scan3A_44 : i32
      %scan3A_46 = arith.constant 1 : i32
      scf.for %scan3A_48 = %scan3A_43 to %scan3A_45 step %scan3A_46  : i32 {
        %mul3A_49 = arith.constant 16 : i32
        %mul3A_50 = arith.muli %scan3A_48, %mul3A_49 : i32
        %add3A_51 = arith.constant 0 : i32
        %add3A_52 = arith.addi %add3A_51, %mul3A_50 : i32
        %get3A = arith.index_cast %add3A_42 : i32 to index
        %get3A_53 = arith.index_cast %add3A_52 : i32 to index
        %get3A_54 = tpu.vector_load %arg6[%get3A, %get3A_53] {strides = array<i32>} : memref<32x1024xf32, #tpu.memory_space<vmem>>, vector<1x16xf32>,
        %get3A_55 = vector.shape_cast %get3A_54 : vector<1x16xf32> to vector<16xf32>
        %get3A_56 = arith.index_cast %add3A_42 : i32 to index
        %get3A_57 = arith.index_cast %add3A_52 : i32 to index
        %get3A_58 = tpu.vector_load %arg7[%get3A_56, %get3A_57] {strides = array<i32>} : memref<32x1024xf32, #tpu.memory_space<vmem>>, vector<1x16xf32>,
        %get3A_59 = vector.shape_cast %get3A_58 : vector<1x16xf32> to vector<16xf32>
        %add3A_60 = arith.addf %get3A_55, %get3A_59 : vector<16xf32>
        %swap3A = arith.index_cast %add3A_42 : i32 to index
        %swap3A_61 = arith.index_cast %add3A_52 : i32 to index
        %swap3A_62 = tpu.vector_load %arg6[%swap3A, %swap3A_61] {strides = array<i32>} : memref<32x1024xf32, #tpu.memory_space<vmem>>, vector<1x16xf32>,
        %swap3A_63 = vector.shape_cast %swap3A_62 : vector<1x16xf32> to vector<16xf32>
        %swap3A_64 = vector.shape_cast %add3A_60 : vector<16xf32> to vector<1x16xf32>
        tpu.vector_store %arg6[%swap3A, %swap3A_61], %swap3A_64 {strides = array<i32>} : memref<32x1024xf32, #tpu.memory_space<vmem>>, vector<1x16xf32>,
      }
      %scan3A_47 = arith.constant 64 : i32
    }
    %scan3A_37 = arith.constant 32 : i32
    "tpu.region"() ({
      %run_scoped3A = tpu.sem_alloc : memref<!tpu.dma_semaphore, #tpu.memory_space<semaphore_mem>>
      %dma_start3A_38 = arith.constant 0 : i32
      %dma_start3A_39 = tpu.memref_slice %arg5[%add3A_20, %dma_start3A_38] : memref<2048x1024xf32, #tpu.memory_space<hbm>> -> memref<32x1024xf32, #tpu.memory_space<hbm>>
      %dma_start3A_40 = arith.constant 0 : i32
      %dma_start3A_41 = tpu.memref_slice %arg5[%add3A_20, %dma_start3A_40] : memref<2048x1024xf32, #tpu.memory_space<hbm>> -> memref<32x1024xf32, #tpu.memory_space<hbm>>
      tpu.enqueue_dma source(%arg6 : memref<32x1024xf32, #tpu.memory_space<vmem>>) target(%dma_start3A_41 : memref<32x1024xf32, #tpu.memory_space<hbm>>) target_semaphore(%run_scoped3A : memref<!tpu.dma_semaphore, #tpu.memory_space<semaphore_mem>>)
      %dma_wait3A_42 = arith.constant 0 : i32
      %dma_wait3A_43 = tpu.memref_slice %arg5[%add3A_20, %dma_wait3A_42] : memref<2048x1024xf32, #tpu.memory_space<hbm>> -> memref<32x1024xf32, #tpu.memory_space<hbm>>
      %dma_wait3A_44 = arith.constant 0 : i32
      %dma_wait3A_45 = tpu.memref_slice %arg5[%add3A_20, %dma_wait3A_44] : memref<2048x1024xf32, #tpu.memory_space<hbm>> -> memref<32x1024xf32, #tpu.memory_space<hbm>>
      tpu.wait_dma2 semaphore(%run_scoped3A : memref<!tpu.dma_semaphore, #tpu.memory_space<semaphore_mem>>) src(%arg6 : memref<32x1024xf32, #tpu.memory_space<vmem>>) dst(%dma_wait3A_45 : memref<32x1024xf32, #tpu.memory_space<hbm>>)
      tpu.yield
    }) : () -> ()
    return
  }
}

module attributes {stable_mosaic.version = 14 : i64} {
  func.func @_gate_body(%arg0: memref<2048x1024xf32, #tpu.memory_space<vmem>>, %arg1: memref<1024x8xf32, #tpu.memory_space<vmem>>, %arg2: memref<1x1xf32, #tpu.memory_space<vmem>>, %arg3: memref<1x8xi32, #tpu.memory_space<vmem>>, %arg4: memref<2048x1xi32, #tpu.memory_space<vmem>>, %arg5: memref<2048x1xi32, #tpu.memory_space<vmem>>, %arg6: memref<2048x128xf32, #tpu.memory_space<vmem>>, %arg7: memref<2048x128xf32, #tpu.memory_space<vmem>>) attributes {dimension_semantics = [], scalar_prefetch = 0 : i64, scratch_operands = 0 : i64, tpu.core_type = #tpu.core_type<tc>} {
    %get3A = arith.constant 0 : index
    %get3A_0 = arith.constant 0 : index
    %get3A_1 = vector.load %arg0[%get3A, %get3A_0] : memref<2048x1024xf32, #tpu.memory_space<vmem>>, vector<2048x1024xf32>
    %convert_element_type3A = arith.truncf %get3A_1 : vector<2048x1024xf32> to vector<2048x1024xbf16>
    %get3A_2 = arith.constant 0 : index
    %get3A_3 = arith.constant 0 : index
    %get3A_4 = vector.load %arg1[%get3A_2, %get3A_3] : memref<1024x8xf32, #tpu.memory_space<vmem>>, vector<1024x8xf32>
    %convert_element_type3A_5 = arith.truncf %get3A_4 : vector<1024x8xf32> to vector<1024x8xbf16>
    %dot_general3A = arith.constant dense<0.000000e+00> : vector<2048x8xf32>
    %dot_general3A_6 = tpu.matmul %convert_element_type3A, %convert_element_type3A_5, %dot_general3A {dimension_numbers = #tpu.dot_dimension_numbers<[1], [0], [0], [1], [0, 0, 1, 1], [], []>, transpose_lhs_hint = false} : vector<2048x1024xbf16>, vector<1024x8xbf16>, vector<2048x8xf32> -> vector<2048x8xf32>
    %reduce_max3A = arith.constant dense<0xFF800000> : vector<2048xf32>
    %reduce_max3A_7 = vector.multi_reduction <maximumf>, %dot_general3A_6, %reduce_max3A [1] : vector<2048x8xf32> to vector<2048xf32>
    %broadcast_in_dim3A = vector.shape_cast %reduce_max3A_7 : vector<2048xf32> to vector<2048x1xf32>
    %sub3A = vector.broadcast %broadcast_in_dim3A : vector<2048x1xf32> to vector<2048x8xf32>
    %sub3A_8 = arith.subf %dot_general3A_6, %sub3A : vector<2048x8xf32>
    %exp3A = math.exp %sub3A_8 : vector<2048x8xf32>
    %reduce_sum3A = arith.constant dense<0.000000e+00> : vector<2048xf32>
    %reduce_sum3A_9 = vector.multi_reduction <add>, %exp3A, %reduce_sum3A [1] : vector<2048x8xf32> to vector<2048xf32>
    %broadcast_in_dim3A_10 = vector.shape_cast %reduce_sum3A_9 : vector<2048xf32> to vector<2048x1xf32>
    %div3A = vector.broadcast %broadcast_in_dim3A_10 : vector<2048x1xf32> to vector<2048x8xf32>
    %div3A_11 = arith.divf %exp3A, %div3A : vector<2048x8xf32>
    %iota3A = tpu.iota {dimensions = array<i32: 1>} : vector<2048x8xi32>
    %reduce_max3A_12 = arith.constant dense<0xFF800000> : vector<2048xf32>
    %reduce_max3A_13 = vector.multi_reduction <maximumf>, %div3A_11, %reduce_max3A_12 [1] : vector<2048x8xf32> to vector<2048xf32>
    %broadcast_in_dim3A_14 = vector.shape_cast %reduce_max3A_13 : vector<2048xf32> to vector<2048x1xf32>
    %eq3A = vector.broadcast %broadcast_in_dim3A_14 : vector<2048x1xf32> to vector<2048x8xf32>
    %eq3A_15 = arith.cmpf oeq, %div3A_11, %eq3A : vector<2048x8xf32>
    %jit3A = arith.constant 8 : i32
    %broadcast_in_dim3A_16 = vector.broadcast %jit3A : i32 to vector<2048x8xi32>
    %select_n3A = arith.select %eq3A_15, %iota3A, %broadcast_in_dim3A_16 : vector<2048x8xi1>, vector<2048x8xi32>
    %reduce_min3A = arith.constant dense<2147483647> : vector<2048xi32>
    %reduce_min3A_17 = vector.multi_reduction <minsi>, %select_n3A, %reduce_min3A [1] : vector<2048x8xi32> to vector<2048xi32>
    %broadcast_in_dim3A_18 = vector.shape_cast %reduce_min3A_17 : vector<2048xi32> to vector<2048x1xi32>
    %eq3A_19 = vector.broadcast %broadcast_in_dim3A_18 : vector<2048x1xi32> to vector<2048x8xi32>
    %eq3A_20 = arith.cmpi eq, %iota3A, %eq3A_19 : vector<2048x8xi32>
    %convert_element_type3A_21 = arith.extui %eq3A_20 : vector<2048x8xi1> to vector<2048x8xi32>
    %convert_element_type3A_22 = arith.sitofp %convert_element_type3A_21 : vector<2048x8xi32> to vector<2048x8xf32>
    %eq3A_23 = vector.broadcast %broadcast_in_dim3A_18 : vector<2048x1xi32> to vector<2048x8xi32>
    %eq3A_24 = arith.cmpi eq, %iota3A, %eq3A_23 : vector<2048x8xi32>
    %jit3A_25 = arith.constant 0xFF800000 : f32
    %broadcast_in_dim3A_26 = vector.broadcast %jit3A_25 : f32 to vector<2048x8xf32>
    %select_n3A_27 = arith.select %eq3A_24, %broadcast_in_dim3A_26, %div3A_11 : vector<2048x8xi1>, vector<2048x8xf32>
    %reduce_max3A_28 = arith.constant dense<0xFF800000> : vector<2048xf32>
    %reduce_max3A_29 = vector.multi_reduction <maximumf>, %select_n3A_27, %reduce_max3A_28 [1] : vector<2048x8xf32> to vector<2048xf32>
    %broadcast_in_dim3A_30 = vector.shape_cast %reduce_max3A_29 : vector<2048xf32> to vector<2048x1xf32>
    %eq3A_31 = vector.broadcast %broadcast_in_dim3A_30 : vector<2048x1xf32> to vector<2048x8xf32>
    %eq3A_32 = arith.cmpf oeq, %select_n3A_27, %eq3A_31 : vector<2048x8xf32>
    %jit3A_33 = arith.constant 8 : i32
    %broadcast_in_dim3A_34 = vector.broadcast %jit3A_33 : i32 to vector<2048x8xi32>
    %select_n3A_35 = arith.select %eq3A_32, %iota3A, %broadcast_in_dim3A_34 : vector<2048x8xi1>, vector<2048x8xi32>
    %reduce_min3A_36 = arith.constant dense<2147483647> : vector<2048xi32>
    %reduce_min3A_37 = vector.multi_reduction <minsi>, %select_n3A_35, %reduce_min3A_36 [1] : vector<2048x8xi32> to vector<2048xi32>
    %broadcast_in_dim3A_38 = vector.shape_cast %reduce_min3A_37 : vector<2048xi32> to vector<2048x1xi32>
    %eq3A_39 = vector.broadcast %broadcast_in_dim3A_38 : vector<2048x1xi32> to vector<2048x8xi32>
    %eq3A_40 = arith.cmpi eq, %iota3A, %eq3A_39 : vector<2048x8xi32>
    %convert_element_type3A_41 = arith.extui %eq3A_40 : vector<2048x8xi1> to vector<2048x8xi32>
    %convert_element_type3A_42 = arith.sitofp %convert_element_type3A_41 : vector<2048x8xi32> to vector<2048x8xf32>
    %add3A = arith.addf %broadcast_in_dim3A_14, %broadcast_in_dim3A_30 : vector<2048x1xf32>
    %add3A_43 = arith.constant 9.99999971E-10 : f32
    %add3A_44 = vector.broadcast %add3A_43 : f32 to vector<2048x1xf32>
    %add3A_45 = arith.addf %add3A, %add3A_44 : vector<2048x1xf32>
    %div3A_46 = arith.divf %broadcast_in_dim3A_14, %add3A_45 : vector<2048x1xf32>
    %broadcast_in_dim3A_47 = vector.shape_cast %div3A_46 : vector<2048x1xf32> to vector<2048x1xf32>
    %broadcast_in_dim3A_48 = vector.broadcast %broadcast_in_dim3A_47 : vector<2048x1xf32> to vector<2048x128xf32>
    %swap3A = arith.constant 0 : index
    %swap3A_49 = arith.constant 0 : index
    %swap3A_50 = vector.load %arg6[%swap3A, %swap3A_49] : memref<2048x128xf32, #tpu.memory_space<vmem>>, vector<2048x128xf32>
    tpu.vector_store %arg6[%swap3A, %swap3A_49], %broadcast_in_dim3A_48 {strides = array<i32>} : memref<2048x128xf32, #tpu.memory_space<vmem>>, vector<2048x128xf32>,
    %div3A_51 = arith.divf %broadcast_in_dim3A_30, %add3A_45 : vector<2048x1xf32>
    %broadcast_in_dim3A_52 = vector.shape_cast %div3A_51 : vector<2048x1xf32> to vector<2048x1xf32>
    %broadcast_in_dim3A_53 = vector.broadcast %broadcast_in_dim3A_52 : vector<2048x1xf32> to vector<2048x128xf32>
    %swap3A_54 = arith.constant 0 : index
    %swap3A_55 = arith.constant 0 : index
    %swap3A_56 = vector.load %arg7[%swap3A_54, %swap3A_55] : memref<2048x128xf32, #tpu.memory_space<vmem>>, vector<2048x128xf32>
    tpu.vector_store %arg7[%swap3A_54, %swap3A_55], %broadcast_in_dim3A_53 {strides = array<i32>} : memref<2048x128xf32, #tpu.memory_space<vmem>>, vector<2048x128xf32>,
    %add3A_57 = arith.addf %convert_element_type3A_22, %convert_element_type3A_42 : vector<2048x8xf32>
    %reduce_sum3A_58 = arith.constant dense<0.000000e+00> : vector<8xf32>
    %reduce_sum3A_59 = vector.multi_reduction <add>, %add3A_57, %reduce_sum3A_58 [0] : vector<2048x8xf32> to vector<8xf32>
    %broadcast_in_dim3A_60 = vector.shape_cast %reduce_sum3A_59 : vector<8xf32> to vector<1x8xf32>
    %reduce_sum3A_61 = arith.constant dense<0.000000e+00> : vector<8xf32>
    %reduce_sum3A_62 = vector.multi_reduction <add>, %div3A_11, %reduce_sum3A_61 [0] : vector<2048x8xf32> to vector<8xf32>
    %broadcast_in_dim3A_63 = vector.shape_cast %reduce_sum3A_62 : vector<8xf32> to vector<1x8xf32>
    %div3A_64 = arith.constant 2.048000e+03 : f32
    %div3A_65 = vector.broadcast %div3A_64 : f32 to vector<1x8xf32>
    %div3A_66 = arith.divf %broadcast_in_dim3A_63, %div3A_65 : vector<1x8xf32>
    %div3A_67 = arith.constant 2.048000e+03 : f32
    %div3A_68 = vector.broadcast %div3A_67 : f32 to vector<1x8xf32>
    %div3A_69 = arith.divf %broadcast_in_dim3A_60, %div3A_68 : vector<1x8xf32>
    %mul3A = arith.mulf %div3A_69, %div3A_66 : vector<1x8xf32>
    %reduce_sum3A_70 = vector.shape_cast %mul3A : vector<1x8xf32> to vector<1x1x8xf32>
    %reduce_sum3A_71 = arith.constant dense<0.000000e+00> : vector<1xf32>
    %reduce_sum3A_72 = vector.multi_reduction <add>, %reduce_sum3A_70, %reduce_sum3A_71 [1, 2] : vector<1x1x8xf32> to vector<1xf32>
    %reduce_sum3A_73 = vector.shape_cast %reduce_sum3A_72 : vector<1xf32> to vector<1x1x1xf32>
    %reduce_sum3A_74 = vector.extract %reduce_sum3A_73[0, 0, 0] : f32 from vector<1x1x1xf32>
    %mul3A_75 = arith.constant 8.000000e+00 : f32
    %mul3A_76 = arith.mulf %reduce_sum3A_74, %mul3A_75 : f32
    %reshape3A = vector.broadcast %mul3A_76 : f32 to vector<1x1xf32>
    %swap3A_77 = arith.constant 0 : index
    %swap3A_78 = arith.constant 0 : index
    %swap3A_79 = vector.load %arg2[%swap3A_77, %swap3A_78] : memref<1x1xf32, #tpu.memory_space<vmem>>, vector<1x1xf32>
    tpu.vector_store %arg2[%swap3A_77, %swap3A_78], %reshape3A {strides = array<i32>} : memref<1x1xf32, #tpu.memory_space<vmem>>, vector<1x1xf32>,
    %convert_element_type3A_80 = arith.fptosi %broadcast_in_dim3A_60 : vector<1x8xf32> to vector<1x8xi32>
    %swap3A_81 = arith.constant 0 : index
    %swap3A_82 = arith.constant 0 : index
    %swap3A_83 = vector.load %arg3[%swap3A_81, %swap3A_82] : memref<1x8xi32, #tpu.memory_space<vmem>>, vector<1x8xi32>
    tpu.vector_store %arg3[%swap3A_81, %swap3A_82], %convert_element_type3A_80 {strides = array<i32>} : memref<1x8xi32, #tpu.memory_space<vmem>>, vector<1x8xi32>,
    %iota3A_84 = tpu.iota {dimensions = array<i32: 0>} : vector<512x512xi32>
    %iota3A_85 = tpu.iota {dimensions = array<i32: 1>} : vector<512x512xi32>
    %lt3A = arith.cmpi slt, %iota3A_85, %iota3A_84 : vector<512x512xi32>
    %convert_element_type3A_86 = arith.extui %lt3A : vector<512x512xi1> to vector<512x512xi32>
    %convert_element_type3A_87 = arith.sitofp %convert_element_type3A_86 : vector<512x512xi32> to vector<512x512xf32>
    %convert_element_type3A_88 = arith.truncf %convert_element_type3A_87 : vector<512x512xf32> to vector<512x512xbf16>
    %broadcast_in_dim3A_89 = arith.constant 0.000000e+00 : f32
    %broadcast_in_dim3A_90 = vector.broadcast %broadcast_in_dim3A_89 : f32 to vector<1x8xf32>
    %slice3A = vector.extract_strided_slice %add3A_57 {offsets = [0, 0], sizes = [512, 8], strides = [1, 1]} : vector<2048x8xf32> to vector<512x8xf32>
    %convert_element_type3A_91 = arith.truncf %slice3A : vector<512x8xf32> to vector<512x8xbf16>
    %dot_general3A_92 = arith.constant dense<0.000000e+00> : vector<512x8xf32>
    %dot_general3A_93 = tpu.matmul %convert_element_type3A_88, %convert_element_type3A_91, %dot_general3A_92 {dimension_numbers = #tpu.dot_dimension_numbers<[1], [0], [0], [1], [0, 0, 1, 1], [], []>, transpose_lhs_hint = false} : vector<512x512xbf16>, vector<512x8xbf16>, vector<512x8xf32> -> vector<512x8xf32>
    %add3A_94 = vector.broadcast %broadcast_in_dim3A_90 : vector<1x8xf32> to vector<512x8xf32>
    %add3A_95 = arith.addf %dot_general3A_93, %add3A_94 : vector<512x8xf32>
    %reduce_sum3A_96 = arith.constant dense<0.000000e+00> : vector<8xf32>
    %reduce_sum3A_97 = vector.multi_reduction <add>, %slice3A, %reduce_sum3A_96 [0] : vector<512x8xf32> to vector<8xf32>
    %broadcast_in_dim3A_98 = vector.shape_cast %reduce_sum3A_97 : vector<8xf32> to vector<1x8xf32>
    %add3A_99 = arith.addf %broadcast_in_dim3A_90, %broadcast_in_dim3A_98 : vector<1x8xf32>
    %slice3A_100 = vector.extract_strided_slice %add3A_57 {offsets = [512, 0], sizes = [512, 8], strides = [1, 1]} : vector<2048x8xf32> to vector<512x8xf32>
    %convert_element_type3A_101 = arith.truncf %slice3A_100 : vector<512x8xf32> to vector<512x8xbf16>
    %dot_general3A_102 = arith.constant dense<0.000000e+00> : vector<512x8xf32>
    %dot_general3A_103 = tpu.matmul %convert_element_type3A_88, %convert_element_type3A_101, %dot_general3A_102 {dimension_numbers = #tpu.dot_dimension_numbers<[1], [0], [0], [1], [0, 0, 1, 1], [], []>, transpose_lhs_hint = false} : vector<512x512xbf16>, vector<512x8xbf16>, vector<512x8xf32> -> vector<512x8xf32>
    %add3A_104 = vector.broadcast %add3A_99 : vector<1x8xf32> to vector<512x8xf32>
    %add3A_105 = arith.addf %dot_general3A_103, %add3A_104 : vector<512x8xf32>
    %reduce_sum3A_106 = arith.constant dense<0.000000e+00> : vector<8xf32>
    %reduce_sum3A_107 = vector.multi_reduction <add>, %slice3A_100, %reduce_sum3A_106 [0] : vector<512x8xf32> to vector<8xf32>
    %broadcast_in_dim3A_108 = vector.shape_cast %reduce_sum3A_107 : vector<8xf32> to vector<1x8xf32>
    %add3A_109 = arith.addf %add3A_99, %broadcast_in_dim3A_108 : vector<1x8xf32>
    %slice3A_110 = vector.extract_strided_slice %add3A_57 {offsets = [1024, 0], sizes = [512, 8], strides = [1, 1]} : vector<2048x8xf32> to vector<512x8xf32>
    %convert_element_type3A_111 = arith.truncf %slice3A_110 : vector<512x8xf32> to vector<512x8xbf16>
    %dot_general3A_112 = arith.constant dense<0.000000e+00> : vector<512x8xf32>
    %dot_general3A_113 = tpu.matmul %convert_element_type3A_88, %convert_element_type3A_111, %dot_general3A_112 {dimension_numbers = #tpu.dot_dimension_numbers<[1], [0], [0], [1], [0, 0, 1, 1], [], []>, transpose_lhs_hint = false} : vector<512x512xbf16>, vector<512x8xbf16>, vector<512x8xf32> -> vector<512x8xf32>
    %add3A_114 = vector.broadcast %add3A_109 : vector<1x8xf32> to vector<512x8xf32>
    %add3A_115 = arith.addf %dot_general3A_113, %add3A_114 : vector<512x8xf32>
    %reduce_sum3A_116 = arith.constant dense<0.000000e+00> : vector<8xf32>
    %reduce_sum3A_117 = vector.multi_reduction <add>, %slice3A_110, %reduce_sum3A_116 [0] : vector<512x8xf32> to vector<8xf32>
    %broadcast_in_dim3A_118 = vector.shape_cast %reduce_sum3A_117 : vector<8xf32> to vector<1x8xf32>
    %add3A_119 = arith.addf %add3A_109, %broadcast_in_dim3A_118 : vector<1x8xf32>
    %slice3A_120 = vector.extract_strided_slice %add3A_57 {offsets = [1536, 0], sizes = [512, 8], strides = [1, 1]} : vector<2048x8xf32> to vector<512x8xf32>
    %convert_element_type3A_121 = arith.truncf %slice3A_120 : vector<512x8xf32> to vector<512x8xbf16>
    %dot_general3A_122 = arith.constant dense<0.000000e+00> : vector<512x8xf32>
    %dot_general3A_123 = tpu.matmul %convert_element_type3A_88, %convert_element_type3A_121, %dot_general3A_122 {dimension_numbers = #tpu.dot_dimension_numbers<[1], [0], [0], [1], [0, 0, 1, 1], [], []>, transpose_lhs_hint = false} : vector<512x512xbf16>, vector<512x8xbf16>, vector<512x8xf32> -> vector<512x8xf32>
    %add3A_124 = vector.broadcast %add3A_119 : vector<1x8xf32> to vector<512x8xf32>
    %add3A_125 = arith.addf %dot_general3A_123, %add3A_124 : vector<512x8xf32>
    %concatenate3A = tpu.concatenate %add3A_95, %add3A_105, %add3A_115, %add3A_125 in 0 : vector<512x8xf32>, vector<512x8xf32>, vector<512x8xf32>, vector<512x8xf32> -> vector<2048x8xf32>
    %convert_element_type3A_126 = arith.sitofp %iota3A : vector<2048x8xi32> to vector<2048x8xf32>
    %mul3A_127 = arith.constant 2.048000e+03 : f32
    %mul3A_128 = vector.broadcast %mul3A_127 : f32 to vector<2048x8xf32>
    %mul3A_129 = arith.mulf %mul3A_128, %convert_element_type3A_126 : vector<2048x8xf32>
    %add3A_130 = arith.addf %concatenate3A, %mul3A_129 : vector<2048x8xf32>
    %mul3A_131 = arith.mulf %convert_element_type3A_22, %add3A_130 : vector<2048x8xf32>
    %reduce_sum3A_132 = arith.constant dense<0.000000e+00> : vector<2048xf32>
    %reduce_sum3A_133 = vector.multi_reduction <add>, %mul3A_131, %reduce_sum3A_132 [1] : vector<2048x8xf32> to vector<2048xf32>
    %broadcast_in_dim3A_134 = vector.shape_cast %reduce_sum3A_133 : vector<2048xf32> to vector<2048x1xf32>
    %convert_element_type3A_135 = arith.fptosi %broadcast_in_dim3A_134 : vector<2048x1xf32> to vector<2048x1xi32>
    %swap3A_136 = arith.constant 0 : index
    %swap3A_137 = arith.constant 0 : index
    %swap3A_138 = vector.load %arg4[%swap3A_136, %swap3A_137] : memref<2048x1xi32, #tpu.memory_space<vmem>>, vector<2048x1xi32>
    tpu.vector_store %arg4[%swap3A_136, %swap3A_137], %convert_element_type3A_135 {strides = array<i32>} : memref<2048x1xi32, #tpu.memory_space<vmem>>, vector<2048x1xi32>,
    %mul3A_139 = arith.mulf %convert_element_type3A_42, %add3A_130 : vector<2048x8xf32>
    %reduce_sum3A_140 = arith.constant dense<0.000000e+00> : vector<2048xf32>
    %reduce_sum3A_141 = vector.multi_reduction <add>, %mul3A_139, %reduce_sum3A_140 [1] : vector<2048x8xf32> to vector<2048xf32>
    %broadcast_in_dim3A_142 = vector.shape_cast %reduce_sum3A_141 : vector<2048xf32> to vector<2048x1xf32>
    %convert_element_type3A_143 = arith.fptosi %broadcast_in_dim3A_142 : vector<2048x1xf32> to vector<2048x1xi32>
    %swap3A_144 = arith.constant 0 : index
    %swap3A_145 = arith.constant 0 : index
    %swap3A_146 = vector.load %arg5[%swap3A_144, %swap3A_145] : memref<2048x1xi32, #tpu.memory_space<vmem>>, vector<2048x1xi32>
    tpu.vector_store %arg5[%swap3A_144, %swap3A_145], %convert_element_type3A_143 {strides = array<i32>} : memref<2048x1xi32, #tpu.memory_space<vmem>>, vector<2048x1xi32>,
    return
  }
}

module attributes {stable_mosaic.version = 14 : i64} {
  func.func @_ffn_body(%arg0: i32, %arg1: i32, %arg2: memref<8xi32, #tpu.memory_space<smem>>, %arg3: memref<2048x1024xf32, #tpu.memory_space<vmem>>, %arg4: memref<2048x128xf32, #tpu.memory_space<vmem>>, %arg5: memref<1x1024x1024xf32, #tpu.memory_space<vmem>>, %arg6: memref<1x1x1024xf32, #tpu.memory_space<vmem>>, %arg7: memref<1x1024x1024xf32, #tpu.memory_space<vmem>>, %arg8: memref<1x1x1024xf32, #tpu.memory_space<vmem>>, %arg9: memref<2048x1024xf32, #tpu.memory_space<vmem>>) attributes {dimension_semantics = [#tpu.dimension_semantics<arbitrary>, #tpu.dimension_semantics<arbitrary>], iteration_bounds = array<i64: 8, 4>, scalar_prefetch = 1 : i64, scratch_operands = 0 : i64, tpu.core_type = #tpu.core_type<tc>, window_params = [{transform_indices = @transform_0, window_bounds = array<i64: 2048, 1024>}, {transform_indices = @transform_1, window_bounds = array<i64: 2048, 128>}, {transform_indices = @transform_2, window_bounds = array<i64: 1, 1024, 1024>}, {transform_indices = @transform_3, window_bounds = array<i64: 1, 1, 1024>}, {transform_indices = @transform_4, window_bounds = array<i64: 1, 1024, 1024>}, {transform_indices = @transform_5, window_bounds = array<i64: 1, 1, 1024>}, {transform_indices = @transform_6, window_bounds = array<i64: 2048, 1024>}]} {
    %get3A = arith.index_cast %arg0 : i32 to index
    %get3A_0 = memref.load %arg2[%get3A] : memref<8xi32, #tpu.memory_space<smem>>
    %add3A = arith.constant 255 : i32
    %add3A_1 = arith.addi %get3A_0, %add3A : i32
    %div3A = arith.constant 256 : i32
    %div3A_2 = arith.divsi %add3A_1, %div3A : i32
    %get3A_3 = arith.constant 0 : index
    %get3A_4 = arith.constant 0 : index
    %get3A_5 = arith.constant 0 : index
    %get3A_6 = vector.load %arg5[%get3A_3, %get3A_4, %get3A_5] : memref<1x1024x1024xf32, #tpu.memory_space<vmem>>, vector<1x1024x1024xf32>
    %get3A_7 = vector.shape_cast %get3A_6 : vector<1x1024x1024xf32> to vector<1024x1024xf32>
    %convert_element_type3A = arith.truncf %get3A_7 : vector<1024x1024xf32> to vector<1024x1024xbf16>
    %get3A_8 = arith.constant 0 : index
    %get3A_9 = arith.constant 0 : index
    %get3A_10 = arith.constant 0 : index
    %get3A_11 = vector.load %arg7[%get3A_8, %get3A_9, %get3A_10] : memref<1x1024x1024xf32, #tpu.memory_space<vmem>>, vector<1x1024x1024xf32>
    %get3A_12 = vector.shape_cast %get3A_11 : vector<1x1024x1024xf32> to vector<1024x1024xf32>
    %convert_element_type3A_13 = arith.truncf %get3A_12 : vector<1024x1024xf32> to vector<1024x1024xbf16>
    %while3A = arith.constant 0 : i32
    %while3A_14 = arith.constant 0 : i32
    %while3A_15 = arith.subi %div3A_2, %while3A_14 : i32
    %while3A_16 = arith.addi %while3A_14, %while3A_15 : i32
    %while3A_17 = arith.constant 1 : i32
    %while3A_18 = arith.divsi %while3A_15, %while3A_17 : i32
    %while3A_19 = arith.muli %while3A_18, %while3A_17 : i32
    %while3A_20 = arith.addi %while3A_14, %while3A_19 : i32
    %while3A_21 = arith.constant 1 : i32
    scf.for %while3A_23 = %while3A_14 to %while3A_20 step %while3A_21  : i32 {
      %mul3A = arith.constant 256 : i32
      %mul3A_24 = arith.muli %while3A_23, %mul3A : i32
      %get3A_25 = arith.index_cast %mul3A_24 : i32 to index
      %get3A_26 = arith.constant 0 : index
      %get3A_27 = vector.load %arg3[%get3A_25, %get3A_26] : memref<2048x1024xf32, #tpu.memory_space<vmem>>, vector<256x1024xf32>
      %convert_element_type3A_28 = arith.truncf %get3A_27 : vector<256x1024xf32> to vector<256x1024xbf16>
      %dot_general3A = arith.constant dense<0.000000e+00> : vector<256x1024xf32>
      %dot_general3A_29 = tpu.matmul %convert_element_type3A_28, %convert_element_type3A, %dot_general3A {dimension_numbers = #tpu.dot_dimension_numbers<[1], [0], [0], [1], [0, 0, 1, 1], [], []>, transpose_lhs_hint = false} : vector<256x1024xbf16>, vector<1024x1024xbf16>, vector<256x1024xf32> -> vector<256x1024xf32>
      %get3A_30 = arith.constant 0 : index
      %get3A_31 = arith.constant 0 : index
      %get3A_32 = arith.constant 0 : index
      %get3A_33 = vector.load %arg6[%get3A_30, %get3A_31, %get3A_32] : memref<1x1x1024xf32, #tpu.memory_space<vmem>>, vector<1x1x1024xf32>
      %get3A_34 = vector.shape_cast %get3A_33 : vector<1x1x1024xf32> to vector<1x1024xf32>
      %add3A_35 = vector.broadcast %get3A_34 : vector<1x1024xf32> to vector<256x1024xf32>
      %add3A_36 = arith.addf %dot_general3A_29, %add3A_35 : vector<256x1024xf32>
      %mul3A_37 = arith.constant 5.000000e-01 : f32
      %mul3A_38 = vector.broadcast %mul3A_37 : f32 to vector<256x1024xf32>
      %mul3A_39 = arith.mulf %mul3A_38, %add3A_36 : vector<256x1024xf32>
      %mul3A_40 = arith.constant 0.707106769 : f32
      %mul3A_41 = vector.broadcast %mul3A_40 : f32 to vector<256x1024xf32>
      %mul3A_42 = arith.mulf %add3A_36, %mul3A_41 : vector<256x1024xf32>
      %erf3A = math.erf %mul3A_42 : vector<256x1024xf32>
      %add3A_43 = arith.constant 1.000000e+00 : f32
      %add3A_44 = vector.broadcast %add3A_43 : f32 to vector<256x1024xf32>
      %add3A_45 = arith.addf %add3A_44, %erf3A : vector<256x1024xf32>
      %mul3A_46 = arith.mulf %mul3A_39, %add3A_45 : vector<256x1024xf32>
      %convert_element_type3A_47 = arith.truncf %mul3A_46 : vector<256x1024xf32> to vector<256x1024xbf16>
      %dot_general3A_48 = arith.constant dense<0.000000e+00> : vector<256x1024xf32>
      %dot_general3A_49 = tpu.matmul %convert_element_type3A_47, %convert_element_type3A_13, %dot_general3A_48 {dimension_numbers = #tpu.dot_dimension_numbers<[1], [0], [0], [1], [0, 0, 1, 1], [], []>, transpose_lhs_hint = false} : vector<256x1024xbf16>, vector<1024x1024xbf16>, vector<256x1024xf32> -> vector<256x1024xf32>
      %eq3A = arith.constant 0 : i32
      %eq3A_50 = arith.cmpi eq, %arg1, %eq3A : i32
      %convert_element_type3A_51 = arith.extui %eq3A_50 : i1 to i32
      %cond3A = arith.constant 0 : i32
      %cond3A_52 = arith.cmpi ne, %convert_element_type3A_51, %cond3A : i32
      scf.if %cond3A_52 {
        %get3A_62 = arith.constant 0 : index
        %get3A_63 = arith.constant 0 : index
        %get3A_64 = arith.constant 0 : index
        %get3A_65 = vector.load %arg8[%get3A_62, %get3A_63, %get3A_64] : memref<1x1x1024xf32, #tpu.memory_space<vmem>>, vector<1x1x1024xf32>
        %get3A_66 = vector.shape_cast %get3A_65 : vector<1x1x1024xf32> to vector<1x1024xf32>
        %add3A_67 = vector.broadcast %get3A_66 : vector<1x1024xf32> to vector<256x1024xf32>
        %add3A_68 = arith.addf %dot_general3A_49, %add3A_67 : vector<256x1024xf32>
        %swap3A = arith.index_cast %mul3A_24 : i32 to index
        %swap3A_69 = arith.constant 0 : index
        %swap3A_70 = vector.load %arg9[%swap3A, %swap3A_69] : memref<2048x1024xf32, #tpu.memory_space<vmem>>, vector<256x1024xf32>
        tpu.vector_store %arg9[%swap3A, %swap3A_69], %add3A_68 {strides = array<i32>} : memref<2048x1024xf32, #tpu.memory_space<vmem>>, vector<256x1024xf32>,
      } else {
      }
      %gt3A = arith.constant 0 : i32
      %gt3A_53 = arith.cmpi sgt, %arg1, %gt3A : i32
      %convert_element_type3A_54 = arith.extui %gt3A_53 : i1 to i32
      %cond3A_55 = arith.constant 0 : i32
      %cond3A_56 = arith.cmpi ne, %convert_element_type3A_54, %cond3A_55 : i32
      scf.if %cond3A_56 {
        %get3A_62 = arith.index_cast %mul3A_24 : i32 to index
        %get3A_63 = arith.constant 0 : index
        %get3A_64 = vector.load %arg9[%get3A_62, %get3A_63] : memref<2048x1024xf32, #tpu.memory_space<vmem>>, vector<256x1024xf32>
        %add3A_65 = arith.addf %get3A_64, %dot_general3A_49 : vector<256x1024xf32>
        %swap3A = arith.index_cast %mul3A_24 : i32 to index
        %swap3A_66 = arith.constant 0 : index
        %swap3A_67 = vector.load %arg9[%swap3A, %swap3A_66] : memref<2048x1024xf32, #tpu.memory_space<vmem>>, vector<256x1024xf32>
        tpu.vector_store %arg9[%swap3A, %swap3A_66], %add3A_65 {strides = array<i32>} : memref<2048x1024xf32, #tpu.memory_space<vmem>>, vector<256x1024xf32>,
      } else {
      }
      %eq3A_57 = arith.constant 3 : i32
      %eq3A_58 = arith.cmpi eq, %arg1, %eq3A_57 : i32
      %convert_element_type3A_59 = arith.extui %eq3A_58 : i1 to i32
      %cond3A_60 = arith.constant 0 : i32
      %cond3A_61 = arith.cmpi ne, %convert_element_type3A_59, %cond3A_60 : i32
      scf.if %cond3A_61 {
        %get3A_62 = arith.index_cast %mul3A_24 : i32 to index
        %get3A_63 = arith.constant 0 : index
        %get3A_64 = vector.load %arg9[%get3A_62, %get3A_63] : memref<2048x1024xf32, #tpu.memory_space<vmem>>, vector<256x1024xf32>
        %get3A_65 = arith.index_cast %mul3A_24 : i32 to index
        %get3A_66 = arith.constant 0 : index
        %get3A_67 = vector.load %arg4[%get3A_65, %get3A_66] : memref<2048x128xf32, #tpu.memory_space<vmem>>, vector<256x1xf32>
        %mul3A_68 = vector.broadcast %get3A_67 : vector<256x1xf32> to vector<256x1024xf32>
        %mul3A_69 = arith.mulf %get3A_64, %mul3A_68 : vector<256x1024xf32>
        %swap3A = arith.index_cast %mul3A_24 : i32 to index
        %swap3A_70 = arith.constant 0 : index
        %swap3A_71 = vector.load %arg9[%swap3A, %swap3A_70] : memref<2048x1024xf32, #tpu.memory_space<vmem>>, vector<256x1024xf32>
        tpu.vector_store %arg9[%swap3A, %swap3A_70], %mul3A_69 {strides = array<i32>} : memref<2048x1024xf32, #tpu.memory_space<vmem>>, vector<256x1024xf32>,
      } else {
      }
    }
    %while3A_22 = arith.constant 1 : i32
    scf.for %while3A_23 = %while3A_20 to %while3A_16 step %while3A_22  : i32 {
      %mul3A = arith.constant 256 : i32
      %mul3A_24 = arith.muli %while3A_23, %mul3A : i32
      %get3A_25 = arith.index_cast %mul3A_24 : i32 to index
      %get3A_26 = arith.constant 0 : index
      %get3A_27 = vector.load %arg3[%get3A_25, %get3A_26] : memref<2048x1024xf32, #tpu.memory_space<vmem>>, vector<256x1024xf32>
      %convert_element_type3A_28 = arith.truncf %get3A_27 : vector<256x1024xf32> to vector<256x1024xbf16>
      %dot_general3A = arith.constant dense<0.000000e+00> : vector<256x1024xf32>
      %dot_general3A_29 = tpu.matmul %convert_element_type3A_28, %convert_element_type3A, %dot_general3A {dimension_numbers = #tpu.dot_dimension_numbers<[1], [0], [0], [1], [0, 0, 1, 1], [], []>, transpose_lhs_hint = false} : vector<256x1024xbf16>, vector<1024x1024xbf16>, vector<256x1024xf32> -> vector<256x1024xf32>
      %get3A_30 = arith.constant 0 : index
      %get3A_31 = arith.constant 0 : index
      %get3A_32 = arith.constant 0 : index
      %get3A_33 = vector.load %arg6[%get3A_30, %get3A_31, %get3A_32] : memref<1x1x1024xf32, #tpu.memory_space<vmem>>, vector<1x1x1024xf32>
      %get3A_34 = vector.shape_cast %get3A_33 : vector<1x1x1024xf32> to vector<1x1024xf32>
      %add3A_35 = vector.broadcast %get3A_34 : vector<1x1024xf32> to vector<256x1024xf32>
      %add3A_36 = arith.addf %dot_general3A_29, %add3A_35 : vector<256x1024xf32>
      %mul3A_37 = arith.constant 5.000000e-01 : f32
      %mul3A_38 = vector.broadcast %mul3A_37 : f32 to vector<256x1024xf32>
      %mul3A_39 = arith.mulf %mul3A_38, %add3A_36 : vector<256x1024xf32>
      %mul3A_40 = arith.constant 0.707106769 : f32
      %mul3A_41 = vector.broadcast %mul3A_40 : f32 to vector<256x1024xf32>
      %mul3A_42 = arith.mulf %add3A_36, %mul3A_41 : vector<256x1024xf32>
      %erf3A = math.erf %mul3A_42 : vector<256x1024xf32>
      %add3A_43 = arith.constant 1.000000e+00 : f32
      %add3A_44 = vector.broadcast %add3A_43 : f32 to vector<256x1024xf32>
      %add3A_45 = arith.addf %add3A_44, %erf3A : vector<256x1024xf32>
      %mul3A_46 = arith.mulf %mul3A_39, %add3A_45 : vector<256x1024xf32>
      %convert_element_type3A_47 = arith.truncf %mul3A_46 : vector<256x1024xf32> to vector<256x1024xbf16>
      %dot_general3A_48 = arith.constant dense<0.000000e+00> : vector<256x1024xf32>
      %dot_general3A_49 = tpu.matmul %convert_element_type3A_47, %convert_element_type3A_13, %dot_general3A_48 {dimension_numbers = #tpu.dot_dimension_numbers<[1], [0], [0], [1], [0, 0, 1, 1], [], []>, transpose_lhs_hint = false} : vector<256x1024xbf16>, vector<1024x1024xbf16>, vector<256x1024xf32> -> vector<256x1024xf32>
      %eq3A = arith.constant 0 : i32
      %eq3A_50 = arith.cmpi eq, %arg1, %eq3A : i32
      %convert_element_type3A_51 = arith.extui %eq3A_50 : i1 to i32
      %cond3A = arith.constant 0 : i32
      %cond3A_52 = arith.cmpi ne, %convert_element_type3A_51, %cond3A : i32
      scf.if %cond3A_52 {
        %get3A_62 = arith.constant 0 : index
        %get3A_63 = arith.constant 0 : index
        %get3A_64 = arith.constant 0 : index
        %get3A_65 = vector.load %arg8[%get3A_62, %get3A_63, %get3A_64] : memref<1x1x1024xf32, #tpu.memory_space<vmem>>, vector<1x1x1024xf32>
        %get3A_66 = vector.shape_cast %get3A_65 : vector<1x1x1024xf32> to vector<1x1024xf32>
        %add3A_67 = vector.broadcast %get3A_66 : vector<1x1024xf32> to vector<256x1024xf32>
        %add3A_68 = arith.addf %dot_general3A_49, %add3A_67 : vector<256x1024xf32>
        %swap3A = arith.index_cast %mul3A_24 : i32 to index
        %swap3A_69 = arith.constant 0 : index
        %swap3A_70 = vector.load %arg9[%swap3A, %swap3A_69] : memref<2048x1024xf32, #tpu.memory_space<vmem>>, vector<256x1024xf32>
        tpu.vector_store %arg9[%swap3A, %swap3A_69], %add3A_68 {strides = array<i32>} : memref<2048x1024xf32, #tpu.memory_space<vmem>>, vector<256x1024xf32>,
      } else {
      }
      %gt3A = arith.constant 0 : i32
      %gt3A_53 = arith.cmpi sgt, %arg1, %gt3A : i32
      %convert_element_type3A_54 = arith.extui %gt3A_53 : i1 to i32
      %cond3A_55 = arith.constant 0 : i32
      %cond3A_56 = arith.cmpi ne, %convert_element_type3A_54, %cond3A_55 : i32
      scf.if %cond3A_56 {
        %get3A_62 = arith.index_cast %mul3A_24 : i32 to index
        %get3A_63 = arith.constant 0 : index
        %get3A_64 = vector.load %arg9[%get3A_62, %get3A_63] : memref<2048x1024xf32, #tpu.memory_space<vmem>>, vector<256x1024xf32>
        %add3A_65 = arith.addf %get3A_64, %dot_general3A_49 : vector<256x1024xf32>
        %swap3A = arith.index_cast %mul3A_24 : i32 to index
        %swap3A_66 = arith.constant 0 : index
        %swap3A_67 = vector.load %arg9[%swap3A, %swap3A_66] : memref<2048x1024xf32, #tpu.memory_space<vmem>>, vector<256x1024xf32>
        tpu.vector_store %arg9[%swap3A, %swap3A_66], %add3A_65 {strides = array<i32>} : memref<2048x1024xf32, #tpu.memory_space<vmem>>, vector<256x1024xf32>,
      } else {
      }
      %eq3A_57 = arith.constant 3 : i32
      %eq3A_58 = arith.cmpi eq, %arg1, %eq3A_57 : i32
      %convert_element_type3A_59 = arith.extui %eq3A_58 : i1 to i32
      %cond3A_60 = arith.constant 0 : i32
      %cond3A_61 = arith.cmpi ne, %convert_element_type3A_59, %cond3A_60 : i32
      scf.if %cond3A_61 {
        %get3A_62 = arith.index_cast %mul3A_24 : i32 to index
        %get3A_63 = arith.constant 0 : index
        %get3A_64 = vector.load %arg9[%get3A_62, %get3A_63] : memref<2048x1024xf32, #tpu.memory_space<vmem>>, vector<256x1024xf32>
        %get3A_65 = arith.index_cast %mul3A_24 : i32 to index
        %get3A_66 = arith.constant 0 : index
        %get3A_67 = vector.load %arg4[%get3A_65, %get3A_66] : memref<2048x128xf32, #tpu.memory_space<vmem>>, vector<256x1xf32>
        %mul3A_68 = vector.broadcast %get3A_67 : vector<256x1xf32> to vector<256x1024xf32>
        %mul3A_69 = arith.mulf %get3A_64, %mul3A_68 : vector<256x1024xf32>
        %swap3A = arith.index_cast %mul3A_24 : i32 to index
        %swap3A_70 = arith.constant 0 : index
        %swap3A_71 = vector.load %arg9[%swap3A, %swap3A_70] : memref<2048x1024xf32, #tpu.memory_space<vmem>>, vector<256x1024xf32>
        tpu.vector_store %arg9[%swap3A, %swap3A_70], %mul3A_69 {strides = array<i32>} : memref<2048x1024xf32, #tpu.memory_space<vmem>>, vector<256x1024xf32>,
      } else {
      }
    }
    return
  }
  func.func @transform_0(%arg0: i32, %arg1: i32, %arg2: memref<8xi32, #tpu.memory_space<smem>>) -> (i32, i32) {
    %c0_i32 = arith.constant 0 : i32
    %c0_i32_0 = arith.constant 0 : i32
    return %arg0, %c0_i32 : i32, i32
  }
  func.func @transform_1(%arg0: i32, %arg1: i32, %arg2: memref<8xi32, #tpu.memory_space<smem>>) -> (i32, i32) {
    %c0_i32 = arith.constant 0 : i32
    %c0_i32_0 = arith.constant 0 : i32
    return %arg0, %c0_i32 : i32, i32
  }
  func.func @transform_2(%arg0: i32, %arg1: i32, %arg2: memref<8xi32, #tpu.memory_space<smem>>) -> (i32, i32, i32) {
    %c0_i32 = arith.constant 0 : i32
    %c0_i32_0 = arith.constant 0 : i32
    return %arg0, %c0_i32, %arg1 : i32, i32, i32
  }
  func.func @transform_3(%arg0: i32, %arg1: i32, %arg2: memref<8xi32, #tpu.memory_space<smem>>) -> (i32, i32, i32) {
    %c0_i32 = arith.constant 0 : i32
    %c0_i32_0 = arith.constant 0 : i32
    return %arg0, %c0_i32, %arg1 : i32, i32, i32
  }
  func.func @transform_4(%arg0: i32, %arg1: i32, %arg2: memref<8xi32, #tpu.memory_space<smem>>) -> (i32, i32, i32) {
    %c0_i32 = arith.constant 0 : i32
    %c0_i32_0 = arith.constant 0 : i32
    return %arg0, %arg1, %c0_i32 : i32, i32, i32
  }
  func.func @transform_5(%arg0: i32, %arg1: i32, %arg2: memref<8xi32, #tpu.memory_space<smem>>) -> (i32, i32, i32) {
    %c0_i32 = arith.constant 0 : i32
    %c0_i32_0 = arith.constant 0 : i32
    %c0_i32_1 = arith.constant 0 : i32
    return %arg0, %c0_i32, %c0_i32_0 : i32, i32, i32
  }
  func.func @transform_6(%arg0: i32, %arg1: i32, %arg2: memref<8xi32, #tpu.memory_space<smem>>) -> (i32, i32) {
    %c0_i32 = arith.constant 0 : i32
    %c0_i32_0 = arith.constant 0 : i32
    return %arg0, %c0_i32 : i32, i32
  }
}

</mosaic_0001>

<sc_bundles>
// kernel: kernel.6.cloned.1.call-start
scs
__scs_entry_jumppad:
0x0: {  	(pc) =	sbr.rel $0x88, $3  }
0x1: {  	(tag) =	ssettag $0x0;
	lr =	simm.s32 $0x1  }
0x2: {  	[smem:$0x3F9B] =	sst lr;
	_ =	strace $0xD0000000  }
0x3: {  	_ = 	snop  }
0x4: {  	_ = 	snop  }
0x5: {  	_ = 	snop  }
0x6: {  	_ = 	snop  }
0x7: {  	_ = 	snop  }
__scs_overlays_trampoline_lowered:
0x8: {  	[smem:$0x3FAA] =	sst s0  }
0x9: {  	[smem:$0x3FAB] =	sst s1  }
0xa: {  	[smem:$0x3FAC] =	sst s2  }
0xb: {  	[smem:$0x3FAD] =	sst s3  }
0xc: {  	[smem:$0x3FAE] =	sst s4  }
0xd: {  	[smem:$0x3FAF] =	sst s5  }
0xe: {  	[smem:$0x3FB0] =	sst s6  }
0xf: {  	[smem:$0x3FB1] =	sst s7  }
0x10: {  	[smem:$0x3FB2] =	sst s8  }
0x11: {  	[smem:$0x3FB3] =	sst s9;
	s0 =	simm.s32 @!p0 $0x0  }
0x12: {  	s1 =	sld [smem:$0x3F99];
	s0 =	simm.s32 @p0 $0x1  }
0x13: {  	[smem:$0x3FB4] =	sst s0;
	s0 =	simm.s32 @!p1 $0x0  }
0x14: {  	s2 =	sld [smem:$0x3F98];
	s0 =	simm.s32 @p1 $0x1  }
0x15: {  	[smem:$0x3FB5] =	sst s0;
	s0 =	simm.s32 @!p2 $0x0  }
0x16: {  	s3 =	sld [smem:$0x3FDB];
	s0 =	simm.s32 @p2 $0x1  }
0x17: {  	s4 =	simm.s32 $0x1BF5;
	[smem:$0x3FB7] =	sst s0  }
0x18: {  	s0 =	sld [smem:$0x3F9A];
	_ =	swait.ge [sflag:s4], $0x0  }
0x19: {  	s7 =	sld [smem:$0x3F9B]  }
0x1a: {  	s8 =	sadd.s32 $0xFFFFE003, lr  }
0x1b: {  	s9 =	sadd.s32 $0xFFFFFEF7, lr;
	s5 =	simm.s32 $0xFFFFFFFF;
	p2 =	slt.u32 s8, $0xFFFFF086  }
0x1c: {  	p1 =	slt.u32 s9, $0xF7A;
	s5 =	simm.s32 @!p2 $0x0  }
0x1d: {  	s5 =	simm.s32 @p1 $0x1;
	p0 =	seq.s32 s7, s2  }
0x1e: {  	s7 =	smul.u32 @!p0 $0xF7A, s2;
	p2 =	seq.s32 @!p0 s5, $0x0  }
0x1f: {  	s9 =	smul.u32 $0xF7A, s1;
	s8 =	simm.s32 @!p0 $0x1BF5;
	p2 =	por !p2, p0  }
0x20: {  	[sflag:s8] =	ssyncset.s32 @!p0 $0xFFFFF086;
	s6 =	sadd.s32 @!p0 s3, s7;
	s7 =	simm.s32 @!p0 $0x108  }
0x21: {  	s3 =	sadd.s32 s3, s9;
	s6 =	sadd.s32 @!p0 $0x88, s6;
	s7 =	simm.s32 @p2 $0x1082  }
0x22: {  	[simem:s7], [sflag:s8] =	dma.local @!p0 [hbm:s6], $0xF7A  }
0x23: {  	s9 =	sor.u32 $0xD0000000, s2;
	s6 =	simm.s32 $0x108;
	_ =	swait.ge @!p0 [sflag:s8], $0x0  }
0x24: {  	s3 =	sadd.s32 $0x88, s3;
	s6 =	simm.s32 @!p1 $0x1082;
	[sflag:s4] =	ssyncset.s32 $0xFFFFF086  }
0x25: {  	[simem:s6], [sflag:s4] =	dma.local [hbm:s3], $0xF7A  }
0x26: {  	[smem:$0x3F9B] =	sst s1;
	(tag) =	ssettag s2;
	_ =	strace s9  }
0x27: {  	s1 =	sld [smem:$0x3FAB]  }
0x28: {  	s2 =	sld [smem:$0x3FAC]  }
0x29: {  	s4 =	sld [smem:$0x3FAE]  }
0x2a: {  	p0 =	seq.s32 s5, $0x0;
	s5 =	sld [smem:$0x3FAF]  }
0x2b: {  	s6 =	sld [smem:$0x3FB0]  }
0x2c: {  	s7 =	sld [smem:$0x3FB1]  }
0x2d: {  	s3 =	simm.s32 $0x108;
	s8 =	sld [smem:$0x3FB2]  }
0x2e: {  	s3 =	simm.s32 @!p0 $0x1082;
	s9 =	sld [smem:$0x3FB3]  }
0x2f: {  	lr =	sadd.s32 s0, s3;
	s0 =	sld [smem:$0x3FAA]  }
0x30: {  	s3 =	sld [smem:$0x3FAD]  }
0x31: {  	[smem:$0x3FB6] =	sst s10  }
0x32: {  	s10 =	sld [smem:$0x3FB4];
	_ =	sdelay $0x3  }
0x33: {  	p0 =	seq.s32 s10, $0x1;
	s10 =	sld [smem:$0x3FB6];
	_ =	sdelay $0x3  }
0x34: {  	[smem:$0x3FB6] =	sst s10  }
0x35: {  	s10 =	sld [smem:$0x3FB5];
	_ =	sdelay $0x3  }
0x36: {  	p1 =	seq.s32 s10, $0x1;
	s10 =	sld [smem:$0x3FB6];
	_ =	sdelay $0x3  }
0x37: {  	[smem:$0x3FB6] =	sst s10  }
0x38: {  	s10 =	sld [smem:$0x3FB7]  }
0x39: {  	_ = 	snop;
	(pc) =	sbr.ind lr, $3  }
0x3a: {  	_ = 	snop  }
0x3b: {  	_ = 	snop  }
0x3c: {  	p2 =	seq.s32 s10, $0x1;
	s10 =	sld [smem:$0x3FB6]  }
0x3d: {  	_ =	shalt  }
0x3e: {  	_ =	shalt  }
0x3f: {  	_ =	shalt  }
0x40: {  	_ =	shalt  }
0x41: {  	_ =	shalt  }
0x42: {  	_ =	shalt  }
0x43: {  	_ =	shalt  }
0x44: {  	_ =	shalt  }
0x45: {  	_ =	shalt  }
0x46: {  	_ =	shalt  }
0x47: {  	_ =	shalt  }
0x48: {  	_ =	shalt  }
0x49: {  	_ =	shalt  }
0x4a: {  	_ =	shalt  }
0x4b: {  	_ =	shalt  }
0x4c: {  	_ =	shalt  }
0x4d: {  	_ =	shalt  }
0x4e: {  	_ =	shalt  }
0x4f: {  	_ =	shalt  }
0x50: {  	_ =	shalt  }
0x51: {  	_ =	shalt  }
0x52: {  	_ =	shalt  }
0x53: {  	_ =	shalt  }
0x54: {  	_ =	shalt  }
0x55: {  	_ =	shalt  }
0x56: {  	_ =	shalt  }
0x57: {  	_ =	shalt  }
0x58: {  	_ =	shalt  }
0x59: {  	_ =	shalt  }
0x5a: {  	_ =	shalt  }
0x5b: {  	_ =	shalt  }
0x5c: {  	_ =	shalt  }
0x5d: {  	_ =	shalt  }
0x5e: {  	_ =	shalt  }
0x5f: {  	_ =	shalt  }
0x60: {  	_ =	shalt  }
0x61: {  	_ =	shalt  }
0x62: {  	_ =	shalt  }
0x63: {  	_ =	shalt  }
0x64: {  	_ =	shalt  }
0x65: {  	_ =	shalt  }
0x66: {  	_ =	shalt  }
0x67: {  	_ =	shalt  }
0x68: {  	_ =	shalt  }
0x69: {  	_ =	shalt  }
0x6a: {  	_ =	shalt  }
0x6b: {  	_ =	shalt  }
0x6c: {  	_ =	shalt  }
0x6d: {  	_ =	shalt  }
0x6e: {  	_ =	shalt  }
0x6f: {  	_ =	shalt  }
0x70: {  	_ =	shalt  }
0x71: {  	_ =	shalt  }
0x72: {  	_ =	shalt  }
0x73: {  	_ =	shalt  }
0x74: {  	_ =	shalt  }
0x75: {  	_ =	shalt  }
0x76: {  	_ =	shalt  }
0x77: {  	_ =	shalt  }
0x78: {  	_ =	shalt  }
0x79: {  	_ =	shalt  }
0x7a: {  	_ =	shalt  }
0x7b: {  	_ =	shalt  }
0x7c: {  	_ =	shalt  }
0x7d: {  	_ =	shalt  }
0x7e: {  	_ =	shalt  }
0x7f: {  	_ =	shalt  }
0x80: {  	_ =	shalt  }
0x81: {  	_ =	shalt  }
0x82: {  	_ =	shalt  }
0x83: {  	_ =	shalt  }
0x84: {  	_ =	shalt  }
0x85: {  	_ =	shalt  }
0x86: {  	_ =	shalt  }
0x87: {  	_ =	shalt  }
.Lfunc_end0:
.L_simem_size_0:
called_computation_lowered:
.L_overlay_start_0:
0x88: {  	s2 =	sld [smem:$0x3FD9]  }
0x89: {  	s3 =	sld [smem:$0x3FFE];
	_ =	sdelay $0x1  }
0x8a: {  	s1 =	srdreg.scid  }
0x8b: {  	s0 =	sand.u32 $0x1, s1  }
0x8c: {  	s14 =	sshll.u32 s0, $0xA;
	s2 =	sadd.s32 s3, s2  }
0x8d: {  	s2 =	sadd.s32 s2, s14  }
0x8e: {  	[smem:$0x3FC2] =	sst s2  }
0x8f: {  	_ = 	snop  }
0x90: {  	s2 =	sld [smem:$0x3FD0];
	_ =	sdelay $0x2  }
0x91: {  	s4 =	simm.s32 $0xA;
	s5 =	simm.s32 $0x10;
	s15 =	sld [smem:$0x3FC9]  }
0x92: {  	[smem:s5], [sflag:s4] =	dma.local [hbm:s2], $0x1  }
0x93: {  	_ =	swait.eq [sflag:s4], $0x1  }
0x94: {  	[sflag:s4] =	ssyncset.done $0x0  }
0x95: {  	[sflag:s4] =	ssyncadd.s32 $0xFFFFFFFF  }
0x96: {  	s16 =	sld [smem:$0x10];
	(tm) =	ssettm $0x1  }
0x97: {  	s17 =	sld [smem:$0x3FFB];
	_ =	sdelay $0x3  }
0x98: {  	_ =	strace s17  }
0x99: {  	s4 =	sld [smem:$0x3FFC];
	_ =	sdelay $0x3  }
0x9a: {  	_ =	strace s4  }
0x9b: {  	s4 =	sld [smem:$0x3FFD];
	_ =	sdelay $0x3  }
0x9c: {  	_ =	strace s4  }
0x9d: {  	_ =	strace $0x8FFFFFFF  }
0x9e: {  	s18 =	sld [smem:$0x3FDB];
	_ =	sdelay $0x1  }
0x9f: {  	s19 =	simm.s32 $_scs_section_size  }
0xa0: {  	s6 =	simm.s32 $_size__tile_overlayer_lowered;
	s7 =	simm.s32 $_tile_overlayer_lowered  }
0xa1: {  	s22 =	simm.s32 $0x1BFF;
	s21 =	sshll.u32 s7, $0x1;
	s4 =	sadd.s32 s19, s18  }
0xa2: {  	s8 =	simm.s32 $0x0;
	s20 =	sshll.u32 s6, $0x1;
	s6 =	sadd.s32 s21, s4  }
0xa3: {  	[timem:s8], [sflag:s22] =	dma.local [hbm:s6], s20  }
0xa4: {  	_ =	swait.ge [sflag:s22], s20  }
0xa5: {  	s5 =	ssub.s32 $0x0, s20;
	[sflag:s22] =	ssyncset.done $0x0  }
0xa6: {  	[sflag:s22] =	ssyncadd.s32 s5;
	_ =	sdelay $0x1  }
0xa7: {  	s23 =	simm.s32 $0x1B8B  }
0xa8: {  	_ =	swait.ge [sflag:s23], $0x1  }
0xa9: {  	[sflag:s23] =	ssyncset.done $0x0  }
0xaa: {  	s25 =	simm.s32 $0x1B8E;
	s24 =	sld [smem:$0x3FFE];
	[sflag:s23] =	ssyncadd.s32 $0xFFFFFFFF  }
0xab: {  	s26 =	simm.s32 $execute0_lowered;
	[smem:$0x3FD2] =	sst s25  }
0xac: {  	s6 =	sshll.u32 s26, $0x1;
	_ =	strace $0x80000046;
	[dreg:$0x1] =	wrdreg $0xFFFFFFFF  }
0xad: {  	s28 =	simm.s32 $_size_execute0_lowered;
	s4 =	sadd.s32 s4, s6;
	[dreg:$0x0] =	wrdreg $0x0  }
0xae: {  	s6 =	sshll.u32 s28, $0x1;
	[dreg:$0x2] =	wrdreg s4  }
0xaf: {  	[dreg:$0x3] =	wrdreg s6  }
0xb0: {  	[dreg:$0x4] =	wrdreg $0xC0  }
0xb1: {  	_ =	task [dreg:s8], $0x5FFFF  }
0xb2: {  	[dreg:$0x1] =	wrdreg $0xFFFFFFFF  }
0xb3: {  	[dreg:$0x0] =	wrdreg $0x60  }
0xb4: {  	[dreg:$0x2] =	wrdreg s15  }
0xb5: {  	[dreg:$0x3] =	wrdreg s24  }
0xb6: {  	[dreg:$0x4] =	wrdreg s16  }
0xb7: {  	[dreg:$0x5] =	wrdreg $0x9  }
0xb8: {  	_ =	task.clear_ibuf [dreg:s8], $0x6FFFF;
	_ =	strace $0x90000046  }
0xb9: {  	s29 =	simm.s32 $0x9;
	_ =	strace $0x80000048  }
0xba: {  	_ =	swait.ge [sflag:s29], $0x1  }
0xbb: {  	[sflag:s29] =	ssyncadd.s32 $0xFFFFFFFF  }
0xbc: {  	_ =	strace $0x90000048  }
0xbd: {  	_ =	sfence  }
0xbe: {  	s30 =	sld [smem:$0x0];
	_ =	sdelay $0x2  }
0xbf: {  	s31 =	sshll.u32 s1, $0xD;
	s1 =	sshrl.u32 s1, $0x2  }
0xc0: {  	s3 =	sand.u32 $0x4000, s31;
	s1 =	sadd.s32 s1, s30  }
0xc1: {  	s0 =	sor.u32 s3, s0;
	s1 =	sshll.u32 s1, $0x11  }
0xc2: {  	s0 =	sor.u32 s1, s0  }
0xc3: {  	s0 =	sadd.s32 $0x8F2B, s0  }
0xc4: {  	[sflag:s0] =	ssyncadd.remote.s32 $0x1  }
0xc5: {  	_ =	sfence.sel $0xFFFF  }
0xc6: {  	[dreg:$0x0] =	wrdreg $0xFFFFFFFF;
	(pc) =	sbr.abs _section_cstart, $3  }
0xc7: {  	[dreg:$0x1] =	wrdreg $0xFFFFFFFF  }
0xc8: {  	_ =	task.clear_ibuf [dreg:s8], $0x2FFFF;
	_ =	strace $0x9FFFFFFF  }
0xc9: {  	(tm) =	ssettm $0x7FFFFFFF  }
tec
execute0_lowered:
.L_overlay_start_1:
0x0: {  	(tag) =	ssettag $0x1  }
0x1: {  	s0 =	rddreg [dreg:$0x0]  }
0x2: {  	s1 =	rddreg [dreg:$0x1]  }
0x3: {  	s2 =	srdreg.scid;
	s4 =	stileid.u32  }
0x4: {  	s3 =	simm.s32 $0x0;
	s10 =	simm.s32 $0x3;
	s28 =	simm.s32 $0x1000  }
0x5: {  	s29 =	simm.s32 $0x1800;
	s30 =	simm.s32 $0x2000;
	s31 =	simm.s32 $0x2800  }
0x6: {  	s13 =	simm.s32 $0x6000;
	s14 =	simm.s32 $0x6800;
	s15 =	simm.s32 $0x7000  }
0x7: {  	s16 =	simm.s32 $0x7800;
	s17 =	simm.s32 $0x8000;
	s18 =	simm.s32 $0x8800  }
0x8: {  	s19 =	simm.s32 $0x9000;
	s20 =	simm.s32 $0x9800;
	s23 =	simm.s32 $0xA000  }
0x9: {  	s21 =	simm.s32 $0xA800;
	s22 =	simm.s32 $0xC000;
	s2 =	sand.u32 $0x1, s2  }
0xa: {  	s4 =	sshll.u32 s4, $0x7;
	[smem:$0x7FF] =	sst s3;
	s5 =	sshll.u32 s2, $0x6  }
0xb: {  	_ =	strace $0x80000047;
	s2 =	ssub.s32 $0x2, s2;
	s5 =	sor.u32 s5, s4  }
0xc: {  	s24 =	sshrl.u32 s2, $0x1;
	s4 =	sshrl.u32 s5, $0x3;
	s6 =	sshll.u32 s5, $0x4  }
0xd: {  	s5 =	sshll.u32 s5, $0x7;
	s2 =	ssub.s32 s2, s24;
	s7 =	sadd.s32 s4, s1  }
0xe: {  	s8 =	sadd.s32 s6, s1;
	s4 =	sadd.s32 $0x11200, s1;
	s0 =	sadd.s32 s0, s5  }
0xf: {  	s5 =	sadd.s32 $0x11300, s1;
	s9 =	sadd.s32 $0x10E00, s7;
	[dreg:$0x6] =	wrdreg s0  }
0x10: {  	s6 =	sadd.s32 $0x11400, s1;
	s7 =	sadd.s32 $0x11000, s7;
	[dreg:$0x4] =	wrdreg s9  }
0x11: {  	v2 =	vlaneseq.u32;
	s25 =	sadd.s32 $0xC00, s8;
	s26 =	sadd.s32 $0x8C00, s8;
	[dreg:$0x5] =	wrdreg s7  }
0x12: {  	vm0 =	vmmov $0xffff;
	v1 =	vshrl.u32 v2, $0x3;
	s8 =	smax.u32 s2, $0x1;
	[dreg:$0x7] =	wrdreg s25;
	s7 =	sadd.s32 $0x11500, s1  }
0x13: {  	v0 =	vand.u32 $0x7, v2;
	v2 =	vor.u32 $0x8, v2;
	v1 =	vmul.u32 $0x8, v1;
	[dreg:$0x8] =	wrdreg s26;
	s25 =	simm.s32 $0xB000;
	s26 =	simm.s32 $0xB800  }
.LBB2_1:
0x14: {  	s24 =	rddreg [dreg:$0x4];
	s0 =	simm.s32 $0x14000  }
0x15: {  	[tilespmem:s0], [sflag:$0x3] =	stream.linear.gather [hbm4b:s24+s3], $0x40, $0x38;
	[tilespmem:$0x14100] =	vst v63  }
0x16: {  	_ =	swait.ge [sflag:s10], $0x40  }
0x17: {  	[sflag:s10] =	ssyncset.done $0x0  }
0x18: {  	s12 =	simm.s32 $0x14080;
	s11 =	rddreg [dreg:$0x5];
	[sflag:s10] =	ssyncadd.s32 $0xFFFFFFC0  }
0x19: {  	[tilespmem:s12], [sflag:$0x3] =	stream.linear.gather [hbm4b:s11+s3], $0x40, $0x38;
	[tilespmem:$0x14100] =	vst v63  }
0x1a: {  	_ =	swait.ge [sflag:s10], $0x40  }
0x1b: {  	[sflag:s10] =	ssyncset.done $0x0  }
0x1c: {  	s0 =	rddreg [dreg:$0x6];
	[sflag:s10] =	ssyncadd.s32 $0xFFFFFFC0  }
0x1d: {  	[tilespmem:s3], [sflag:$0x3] =	stream.linear.gather [hbm4b:s0+s3], $0x10000, $0x38;
	[tilespmem:$0x14100] =	vst v63  }
0x1e: {  	_ =	swait.ge [sflag:s10], $0x10000  }
0x1f: {  	[sflag:s10] =	ssyncset.done $0x0  }
0x20: {  	[sflag:s10] =	ssyncadd.s32 $0xFFFF0000  }
0x21: {  	v3 =	vld [tilespmem:$0x14000];
	_ =	sdelay $0x4  }
0x22: {  	v4 =	vshll.u32 v3, $0x3  }
0x23: {  	v3 =	vand.u32 $0x7, v3;
	v4 =	vand.u32 $0xFFFFFFC0, v4  }
0x24: {  	v3 =	vor.u32 v3, v4  }
0x25: {  	v4 =	vperm.xlane v3, v0;
	_ =	sdelay $0x1  }
0x26: {  	v4 =	vadd.s32 v1, v4;
	_ =	sdelay $0x4  }
0x27: {  	[hbm4b:s4+s3] =	stream.indirect_vreg.scatter [tilespmem:s3], [sflag:$0x1], $0x80, v4, vm0, $0xb8;
	[tilespmem:$0x14100] =	vst v63  }
0x28: {  	s24 =	simm.s32 $0x800;
	v3 =	vperm.xlane v3, v2  }
0x29: {  	[hbm4b:s5+s3] =	stream.indirect_vreg.scatter [tilespmem:s24], [sflag:$0x1], $0x80, v4, vm0, $0xb8;
	[tilespmem:$0x14100] =	vst v63  }
0x2a: {  	v3 =	vadd.s32 v1, v3  }
0x2b: {  	[hbm4b:s6+s3] =	stream.indirect_vreg.scatter [tilespmem:s28], [sflag:$0x1], $0x80, v4, vm0, $0xb8;
	[tilespmem:$0x14100] =	vst v63  }
0x2c: {  	_ = 	snop  }
0x2d: {  	[hbm4b:s7+s3] =	stream.indirect_vreg.scatter [tilespmem:s29], [sflag:$0x1], $0x80, v4, vm0, $0xb8;
	[tilespmem:$0x14100] =	vst v63  }
0x2e: {  	_ = 	snop  }
0x2f: {  	[hbm4b:s4+s3] =	stream.indirect_vreg.scatter [tilespmem:s30], [sflag:$0x1], $0x80, v3, vm0, $0xb8;
	[tilespmem:$0x14100] =	vst v63  }
0x30: {  	_ = 	snop  }
0x31: {  	[hbm4b:s5+s3] =	stream.indirect_vreg.scatter [tilespmem:s31], [sflag:$0x1], $0x80, v3, vm0, $0xb8;
	[tilespmem:$0x14100] =	vst v63  }
0x32: {  	s1 =	simm.s32 $0x3000  }
0x33: {  	[hbm4b:s6+s3] =	stream.indirect_vreg.scatter [tilespmem:s1], [sflag:$0x1], $0x80, v3, vm0, $0xb8;
	[tilespmem:$0x14100] =	vst v63  }
0x34: {  	s1 =	simm.s32 $0x3800  }
0x35: {  	[hbm4b:s7+s3] =	stream.indirect_vreg.scatter [tilespmem:s1], [sflag:$0x1], $0x80, v3, vm0, $0xb8;
	[tilespmem:$0x14100] =	vst v63  }
0x36: {  	v3 =	vld [tilespmem:$0x14010];
	_ =	sdelay $0x4  }
0x37: {  	v57 =	vshll.u32 v3, $0x3  }
0x38: {  	v3 =	vand.u32 $0x7, v3;
	v4 =	vand.u32 $0xFFFFFFC0, v57  }
0x39: {  	v3 =	vor.u32 v3, v4  }
0x3a: {  	v4 =	vperm.xlane v3, v0;
	_ =	sdelay $0x1  }
0x3b: {  	v4 =	vadd.s32 v1, v4;
	_ =	sdelay $0x3  }
0x3c: {  	s2 =	simm.s32 $0x4000  }
0x3d: {  	[hbm4b:s4+s3] =	stream.indirect_vreg.scatter [tilespmem:s2], [sflag:$0x1], $0x80, v4, vm0, $0xb8;
	[tilespmem:$0x14100] =	vst v63  }
0x3e: {  	s9 =	simm.s32 $0x4800;
	v3 =	vperm.xlane v3, v2  }
0x3f: {  	[hbm4b:s5+s3] =	stream.indirect_vreg.scatter [tilespmem:s9], [sflag:$0x1], $0x80, v4, vm0, $0xb8;
	[tilespmem:$0x14100] =	vst v63  }
0x40: {  	s11 =	simm.s32 $0x5000;
	v3 =	vadd.s32 v1, v3  }
0x41: {  	[hbm4b:s6+s3] =	stream.indirect_vreg.scatter [tilespmem:s11], [sflag:$0x1], $0x80, v4, vm0, $0xb8;
	[tilespmem:$0x14100] =	vst v63  }
0x42: {  	s12 =	simm.s32 $0x5800  }
0x43: {  	[hbm4b:s7+s3] =	stream.indirect_vreg.scatter [tilespmem:s12], [sflag:$0x1], $0x80, v4, vm0, $0xb8;
	[tilespmem:$0x14100] =	vst v63  }
0x44: {  	_ = 	snop  }
0x45: {  	[hbm4b:s4+s3] =	stream.indirect_vreg.scatter [tilespmem:s13], [sflag:$0x1], $0x80, v3, vm0, $0xb8;
	[tilespmem:$0x14100] =	vst v63  }
0x46: {  	_ = 	snop  }
0x47: {  	[hbm4b:s5+s3] =	stream.indirect_vreg.scatter [tilespmem:s14], [sflag:$0x1], $0x80, v3, vm0, $0xb8;
	[tilespmem:$0x14100] =	vst v63  }
0x48: {  	_ = 	snop  }
0x49: {  	[hbm4b:s6+s3] =	stream.indirect_vreg.scatter [tilespmem:s15], [sflag:$0x1], $0x80, v3, vm0, $0xb8;
	[tilespmem:$0x14100] =	vst v63  }
0x4a: {  	_ = 	snop  }
0x4b: {  	[hbm4b:s7+s3] =	stream.indirect_vreg.scatter [tilespmem:s16], [sflag:$0x1], $0x80, v3, vm0, $0xb8;
	[tilespmem:$0x14100] =	vst v63  }
0x4c: {  	v3 =	vld [tilespmem:$0x14020];
	_ =	sdelay $0x4  }
0x4d: {  	v58 =	vshll.u32 v3, $0x3  }
0x4e: {  	v3 =	vand.u32 $0x7, v3;
	v4 =	vand.u32 $0xFFFFFFC0, v58  }
0x4f: {  	v3 =	vor.u32 v3, v4  }
0x50: {  	v4 =	vperm.xlane v3, v0;
	_ =	sdelay $0x1  }
0x51: {  	v4 =	vadd.s32 v1, v4;
	_ =	sdelay $0x4  }
0x52: {  	[hbm4b:s4+s3] =	stream.indirect_vreg.scatter [tilespmem:s17], [sflag:$0x1], $0x80, v4, vm0, $0xb8;
	[tilespmem:$0x14100] =	vst v63  }
0x53: {  	v3 =	vperm.xlane v3, v2  }
0x54: {  	[hbm4b:s5+s3] =	stream.indirect_vreg.scatter [tilespmem:s18], [sflag:$0x1], $0x80, v4, vm0, $0xb8;
	[tilespmem:$0x14100] =	vst v63  }
0x55: {  	v3 =	vadd.s32 v1, v3  }
0x56: {  	[hbm4b:s6+s3] =	stream.indirect_vreg.scatter [tilespmem:s19], [sflag:$0x1], $0x80, v4, vm0, $0xb8;
	[tilespmem:$0x14100] =	vst v63  }
0x57: {  	_ = 	snop  }
0x58: {  	[hbm4b:s7+s3] =	stream.indirect_vreg.scatter [tilespmem:s20], [sflag:$0x1], $0x80, v4, vm0, $0xb8;
	[tilespmem:$0x14100] =	vst v63  }
0x59: {  	_ = 	snop  }
0x5a: {  	[hbm4b:s4+s3] =	stream.indirect_vreg.scatter [tilespmem:s23], [sflag:$0x1], $0x80, v3, vm0, $0xb8;
	[tilespmem:$0x14100] =	vst v63  }
0x5b: {  	_ = 	snop  }
0x5c: {  	[hbm4b:s5+s3] =	stream.indirect_vreg.scatter [tilespmem:s21], [sflag:$0x1], $0x80, v3, vm0, $0xb8;
	[tilespmem:$0x14100] =	vst v63  }
0x5d: {  	_ = 	snop  }
0x5e: {  	[hbm4b:s6+s3] =	stream.indirect_vreg.scatter [tilespmem:s25], [sflag:$0x1], $0x80, v3, vm0, $0xb8;
	[tilespmem:$0x14100] =	vst v63  }
0x5f: {  	_ = 	snop  }
0x60: {  	[hbm4b:s7+s3] =	stream.indirect_vreg.scatter [tilespmem:s26], [sflag:$0x1], $0x80, v3, vm0, $0xb8;
	[tilespmem:$0x14100] =	vst v63  }
0x61: {  	v3 =	vld [tilespmem:$0x14030];
	_ =	sdelay $0x4  }
0x62: {  	v59 =	vshll.u32 v3, $0x3  }
0x63: {  	v3 =	vand.u32 $0x7, v3;
	v4 =	vand.u32 $0xFFFFFFC0, v59  }
0x64: {  	v3 =	vor.u32 v3, v4  }
0x65: {  	v4 =	vperm.xlane v3, v0;
	_ =	sdelay $0x1  }
0x66: {  	v4 =	vadd.s32 v1, v4;
	_ =	sdelay $0x4  }
0x67: {  	[hbm4b:s4+s3] =	stream.indirect_vreg.scatter [tilespmem:s22], [sflag:$0x1], $0x80, v4, vm0, $0xb8;
	[tilespmem:$0x14100] =	vst v63  }
0x68: {  	s0 =	simm.s32 $0xC800;
	v3 =	vperm.xlane v3, v2  }
0x69: {  	[hbm4b:s5+s3] =	stream.indirect_vreg.scatter [tilespmem:s0], [sflag:$0x1], $0x80, v4, vm0, $0xb8;
	[tilespmem:$0x14100] =	vst v63  }
0x6a: {  	v3 =	vadd.s32 v1, v3;
	s0 =	simm.s32 $0xD000  }
0x6b: {  	[hbm4b:s6+s3] =	stream.indirect_vreg.scatter [tilespmem:s0], [sflag:$0x1], $0x80, v4, vm0, $0xb8;
	[tilespmem:$0x14100] =	vst v63  }
0x6c: {  	s0 =	simm.s32 $0xD800  }
0x6d: {  	[hbm4b:s7+s3] =	stream.indirect_vreg.scatter [tilespmem:s0], [sflag:$0x1], $0x80, v4, vm0, $0xb8;
	[tilespmem:$0x14100] =	vst v63  }
0x6e: {  	s0 =	simm.s32 $0xE000  }
0x6f: {  	[hbm4b:s4+s3] =	stream.indirect_vreg.scatter [tilespmem:s0], [sflag:$0x1], $0x80, v3, vm0, $0xb8;
	[tilespmem:$0x14100] =	vst v63  }
0x70: {  	s0 =	simm.s32 $0xE800  }
0x71: {  	[hbm4b:s5+s3] =	stream.indirect_vreg.scatter [tilespmem:s0], [sflag:$0x1], $0x80, v3, vm0, $0xb8;
	[tilespmem:$0x14100] =	vst v63  }
0x72: {  	s0 =	simm.s32 $0xF000  }
0x73: {  	[hbm4b:s6+s3] =	stream.indirect_vreg.scatter [tilespmem:s0], [sflag:$0x1], $0x80, v3, vm0, $0xb8;
	[tilespmem:$0x14100] =	vst v63  }
0x74: {  	s0 =	simm.s32 $0xF800  }
0x75: {  	[hbm4b:s7+s3] =	stream.indirect_vreg.scatter [tilespmem:s0], [sflag:$0x1], $0x80, v3, vm0, $0xb8;
	[tilespmem:$0x14100] =	vst v63  }
0x76: {  	v3 =	vld [tilespmem:$0x14080];
	_ =	sdelay $0x4  }
0x77: {  	v60 =	vshll.u32 v3, $0x3  }
0x78: {  	v3 =	vand.u32 $0x7, v3;
	v4 =	vand.u32 $0xFFFFFFC0, v60  }
0x79: {  	v3 =	vor.u32 v3, v4  }
0x7a: {  	v4 =	vperm.xlane v3, v0;
	_ =	sdelay $0x1  }
0x7b: {  	v4 =	vadd.s32 v1, v4;
	_ =	sdelay $0x4  }
0x7c: {  	[hbm4b:s4+s3] =	stream.indirect_vreg.scatter [tilespmem:s3], [sflag:$0x2], $0x80, v4, vm0, $0xb8;
	[tilespmem:$0x14100] =	vst v63  }
0x7d: {  	v3 =	vperm.xlane v3, v2  }
0x7e: {  	[hbm4b:s5+s3] =	stream.indirect_vreg.scatter [tilespmem:s24], [sflag:$0x2], $0x80, v4, vm0, $0xb8;
	[tilespmem:$0x14100] =	vst v63  }
0x7f: {  	v3 =	vadd.s32 v1, v3  }
0x80: {  	[hbm4b:s6+s3] =	stream.indirect_vreg.scatter [tilespmem:s28], [sflag:$0x2], $0x80, v4, vm0, $0xb8;
	[tilespmem:$0x14100] =	vst v63  }
0x81: {  	_ = 	snop  }
0x82: {  	[hbm4b:s7+s3] =	stream.indirect_vreg.scatter [tilespmem:s29], [sflag:$0x2], $0x80, v4, vm0, $0xb8;
	[tilespmem:$0x14100] =	vst v63  }
0x83: {  	_ = 	snop  }
0x84: {  	[hbm4b:s4+s3] =	stream.indirect_vreg.scatter [tilespmem:s30], [sflag:$0x2], $0x80, v3, vm0, $0xb8;
	[tilespmem:$0x14100] =	vst v63  }
0x85: {  	_ = 	snop  }
0x86: {  	[hbm4b:s5+s3] =	stream.indirect_vreg.scatter [tilespmem:s31], [sflag:$0x2], $0x80, v3, vm0, $0xb8;
	[tilespmem:$0x14100] =	vst v63  }
0x87: {  	s24 =	simm.s32 $0x3000  }
0x88: {  	[hbm4b:s6+s3] =	stream.indirect_vreg.scatter [tilespmem:s24], [sflag:$0x2], $0x80, v3, vm0, $0xb8;
	[tilespmem:$0x14100] =	vst v63  }
0x89: {  	_ = 	snop  }
0x8a: {  	[hbm4b:s7+s3] =	stream.indirect_vreg.scatter [tilespmem:s1], [sflag:$0x2], $0x80, v3, vm0, $0xb8;
	[tilespmem:$0x14100] =	vst v63  }
0x8b: {  	v3 =	vld [tilespmem:$0x14090];
	_ =	sdelay $0x4  }
0x8c: {  	v61 =	vshll.u32 v3, $0x3  }
0x8d: {  	v3 =	vand.u32 $0x7, v3;
	v4 =	vand.u32 $0xFFFFFFC0, v61  }
0x8e: {  	v3 =	vor.u32 v3, v4  }
0x8f: {  	v4 =	vperm.xlane v3, v0;
	_ =	sdelay $0x1  }
0x90: {  	v4 =	vadd.s32 v1, v4;
	_ =	sdelay $0x4  }
0x91: {  	[hbm4b:s4+s3] =	stream.indirect_vreg.scatter [tilespmem:s2], [sflag:$0x2], $0x80, v4, vm0, $0xb8;
	[tilespmem:$0x14100] =	vst v63  }
0x92: {  	v3 =	vperm.xlane v3, v2  }
0x93: {  	[hbm4b:s5+s3] =	stream.indirect_vreg.scatter [tilespmem:s9], [sflag:$0x2], $0x80, v4, vm0, $0xb8;
	[tilespmem:$0x14100] =	vst v63  }
0x94: {  	v3 =	vadd.s32 v1, v3  }
0x95: {  	[hbm4b:s6+s3] =	stream.indirect_vreg.scatter [tilespmem:s11], [sflag:$0x2], $0x80, v4, vm0, $0xb8;
	[tilespmem:$0x14100] =	vst v63  }
0x96: {  	_ = 	snop  }
0x97: {  	[hbm4b:s7+s3] =	stream.indirect_vreg.scatter [tilespmem:s12], [sflag:$0x2], $0x80, v4, vm0, $0xb8;
	[tilespmem:$0x14100] =	vst v63  }
0x98: {  	_ = 	snop  }
0x99: {  	[hbm4b:s4+s3] =	stream.indirect_vreg.scatter [tilespmem:s13], [sflag:$0x2], $0x80, v3, vm0, $0xb8;
	[tilespmem:$0x14100] =	vst v63  }
0x9a: {  	_ = 	snop  }
0x9b: {  	[hbm4b:s5+s3] =	stream.indirect_vreg.scatter [tilespmem:s14], [sflag:$0x2], $0x80, v3, vm0, $0xb8;
	[tilespmem:$0x14100] =	vst v63  }
0x9c: {  	_ = 	snop  }
0x9d: {  	[hbm4b:s6+s3] =	stream.indirect_vreg.scatter [tilespmem:s15], [sflag:$0x2], $0x80, v3, vm0, $0xb8;
	[tilespmem:$0x14100] =	vst v63  }
0x9e: {  	_ = 	snop  }
0x9f: {  	[hbm4b:s7+s3] =	stream.indirect_vreg.scatter [tilespmem:s16], [sflag:$0x2], $0x80, v3, vm0, $0xb8;
	[tilespmem:$0x14100] =	vst v63  }
0xa0: {  	v3 =	vld [tilespmem:$0x140A0];
	_ =	sdelay $0x4  }
0xa1: {  	v62 =	vshll.u32 v3, $0x3  }
0xa2: {  	v3 =	vand.u32 $0x7, v3;
	v4 =	vand.u32 $0xFFFFFFC0, v62  }
0xa3: {  	v3 =	vor.u32 v3, v4  }
0xa4: {  	v4 =	vperm.xlane v3, v0;
	_ =	sdelay $0x1  }
0xa5: {  	v4 =	vadd.s32 v1, v4;
	_ =	sdelay $0x4  }
0xa6: {  	[hbm4b:s4+s3] =	stream.indirect_vreg.scatter [tilespmem:s17], [sflag:$0x2], $0x80, v4, vm0, $0xb8;
	[tilespmem:$0x14100] =	vst v63  }
0xa7: {  	v3 =	vperm.xlane v3, v2  }
0xa8: {  	[hbm4b:s5+s3] =	stream.indirect_vreg.scatter [tilespmem:s18], [sflag:$0x2], $0x80, v4, vm0, $0xb8;
	[tilespmem:$0x14100] =	vst v63  }
0xa9: {  	v3 =	vadd.s32 v1, v3  }
0xaa: {  	[hbm4b:s6+s3] =	stream.indirect_vreg.scatter [tilespmem:s19], [sflag:$0x2], $0x80, v4, vm0, $0xb8;
	[tilespmem:$0x14100] =	vst v63  }
0xab: {  	_ = 	snop  }
0xac: {  	[hbm4b:s7+s3] =	stream.indirect_vreg.scatter [tilespmem:s20], [sflag:$0x2], $0x80, v4, vm0, $0xb8;
	[tilespmem:$0x14100] =	vst v63  }
0xad: {  	_ = 	snop  }
0xae: {  	[hbm4b:s4+s3] =	stream.indirect_vreg.scatter [tilespmem:s23], [sflag:$0x2], $0x80, v3, vm0, $0xb8;
	[tilespmem:$0x14100] =	vst v63  }
0xaf: {  	_ = 	snop  }
0xb0: {  	[hbm4b:s5+s3] =	stream.indirect_vreg.scatter [tilespmem:s21], [sflag:$0x2], $0x80, v3, vm0, $0xb8;
	[tilespmem:$0x14100] =	vst v63  }
0xb1: {  	_ = 	snop  }
0xb2: {  	[hbm4b:s6+s3] =	stream.indirect_vreg.scatter [tilespmem:s25], [sflag:$0x2], $0x80, v3, vm0, $0xb8;
	[tilespmem:$0x14100] =	vst v63  }
0xb3: {  	_ = 	snop  }
0xb4: {  	[hbm4b:s7+s3] =	stream.indirect_vreg.scatter [tilespmem:s26], [sflag:$0x2], $0x80, v3, vm0, $0xb8;
	[tilespmem:$0x14100] =	vst v63  }
0xb5: {  	v3 =	vld [tilespmem:$0x140B0];
	_ =	sdelay $0x4  }
0xb6: {  	v63 =	vshll.u32 v3, $0x3  }
0xb7: {  	v3 =	vand.u32 $0x7, v3;
	v4 =	vand.u32 $0xFFFFFFC0, v63  }
0xb8: {  	v3 =	vor.u32 v3, v4  }
0xb9: {  	v4 =	vperm.xlane v3, v0;
	_ =	sdelay $0x1  }
0xba: {  	v4 =	vadd.s32 v1, v4;
	_ =	sdelay $0x4  }
0xbb: {  	[hbm4b:s4+s3] =	stream.indirect_vreg.scatter [tilespmem:s22], [sflag:$0x2], $0x80, v4, vm0, $0xb8;
	[tilespmem:$0x14100] =	vst v63  }
0xbc: {  	s2 =	simm.s32 $0xC800;
	v3 =	vperm.xlane v3, v2  }
0xbd: {  	[hbm4b:s5+s3] =	stream.indirect_vreg.scatter [tilespmem:s2], [sflag:$0x2], $0x80, v4, vm0, $0xb8;
	[tilespmem:$0x14100] =	vst v63  }
0xbe: {  	s9 =	simm.s32 $0xD000;
	v3 =	vadd.s32 v1, v3  }
0xbf: {  	[hbm4b:s6+s3] =	stream.indirect_vreg.scatter [tilespmem:s9], [sflag:$0x2], $0x80, v4, vm0, $0xb8;
	[tilespmem:$0x14100] =	vst v63  }
0xc0: {  	s11 =	simm.s32 $0xD800  }
0xc1: {  	[hbm4b:s7+s3] =	stream.indirect_vreg.scatter [tilespmem:s11], [sflag:$0x2], $0x80, v4, vm0, $0xb8;
	[tilespmem:$0x14100] =	vst v63  }
0xc2: {  	s12 =	simm.s32 $0xE000  }
0xc3: {  	[hbm4b:s4+s3] =	stream.indirect_vreg.scatter [tilespmem:s12], [sflag:$0x2], $0x80, v3, vm0, $0xb8;
	[tilespmem:$0x14100] =	vst v63  }
0xc4: {  	s24 =	simm.s32 $0xE800  }
0xc5: {  	[hbm4b:s5+s3] =	stream.indirect_vreg.scatter [tilespmem:s24], [sflag:$0x2], $0x80, v3, vm0, $0xb8;
	[tilespmem:$0x14100] =	vst v63  }
0xc6: {  	s2 =	simm.s32 $0xF000  }
0xc7: {  	[hbm4b:s6+s3] =	stream.indirect_vreg.scatter [tilespmem:s2], [sflag:$0x2], $0x80, v3, vm0, $0xb8;
	[tilespmem:$0x14100] =	vst v63  }
0xc8: {  	s0 =	simm.s32 $0xF800  }
0xc9: {  	[hbm4b:s7+s3] =	stream.indirect_vreg.scatter [tilespmem:s0], [sflag:$0x2], $0x80, v3, vm0, $0xb8;
	[tilespmem:$0x14100] =	vst v63  }
0xca: {  	s9 =	rddreg [dreg:$0x7];
	s0 =	simm.s32 $0x10000  }
0xcb: {  	[tilespmem:s0], [sflag:$0x3] =	stream.linear.gather [hbm4b:s9+s3], $0x2000, $0x38;
	[tilespmem:$0x14100] =	vst v63  }
0xcc: {  	_ =	swait.ge [sflag:s10], $0x2000  }
0xcd: {  	[sflag:s10] =	ssyncset.done $0x0  }
0xce: {  	s1 =	simm.s32 $0x12000;
	s11 =	rddreg [dreg:$0x8];
	[sflag:s10] =	ssyncadd.s32 $0xFFFFE000  }
0xcf: {  	[tilespmem:s1], [sflag:$0x3] =	stream.linear.gather [hbm4b:s11+s3], $0x2000, $0x38;
	[tilespmem:$0x14100] =	vst v63  }
0xd0: {  	_ =	swait.ge [sflag:s10], $0x2000  }
0xd1: {  	[sflag:s10] =	ssyncset.done $0x0  }
0xd2: {  	s2 =	simm.s32 $0x1;
	[sflag:s10] =	ssyncadd.s32 $0xFFFFE000  }
0xd3: {  	_ =	swait.ge [sflag:s2], $0x10000  }
0xd4: {  	[sflag:s2] =	ssyncset.done $0x0  }
0xd5: {  	s9 =	simm.s32 $0x2;
	[sflag:s2] =	ssyncadd.s32 $0xFFFF0000  }
0xd6: {  	_ =	swait.ge [sflag:s9], $0x10000  }
0xd7: {  	[sflag:s9] =	ssyncset.done $0x0  }
0xd8: {  	[sflag:s9] =	ssyncadd.s32 $0xFFFF0000  }
0xd9: {  	s12 =	simm.s32 $0x14000;
	s11 =	simm.s32 $0x40;
	s24 =	rddreg [dreg:$0x2]  }
0xda: {  	[hbm4b:s24+s11] =	stream.indirect.scatter [tilespmem:s0], [sflag:$0x1], $0x80, s12, s11, $0xb8;
	[tilespmem:$0x14100] =	vst v63  }
0xdb: {  	s12 =	simm.s32 $0x14080  }
0xdc: {  	[hbm4b:s24+s11] =	stream.indirect.scatter [tilespmem:s1], [sflag:$0x2], $0x80, s12, s11, $0xb8;
	[tilespmem:$0x14100] =	vst v63  }
0xdd: {  	p0 =	sne.s32 s8, $0x1;
	_ =	swait.ge [sflag:s2], $0x2000  }
.Ltmp0:
0xde: {  	[sflag:s2] =	ssyncset.done $0x0;
	(pc) =	sbr.rel @p0 .LBB2_1-.Ltmp0, $4  }
0xdf: {  	[sflag:s2] =	ssyncadd.s32 $0xFFFFE000  }
0xe0: {  	_ =	swait.ge [sflag:s9], $0x2000  }
0xe1: {  	[sflag:s9] =	ssyncset.done $0x0  }
0xe2: {  	s8 =	sadd.s32 $0xFFFFFFFF, s8;
	[sflag:s9] =	ssyncadd.s32 $0xFFFFE000  }
0xe3: {  	_ =	sfence.sel $0x180000  }
0xe4: {  	[bflag:$0x0] =	sbarrier.arrive $0xFFFF  }
0xe5: {  	_ =	strace $0x90000047  }
0xe6: {  	s0 =	stileid.u32;
	[bflag:$0x2] =	sbarrier.arrive $0xFFFF  }
0xe7: {  	p0 =	sne.s32 s0, $0x0;
	s0 =	rddreg [dreg:$0x3]  }
0xe8: {  	s0 =	sadd.s32 @!p0 $0x100000, s0  }
0xe9: {  	[sflag:s0] =	ssyncadd.tile.s32 @!p0 $0x1;
	_ =	shalt  }
.Lfunc_end2:
_tile_overlayer_lowered:
.L_overlay_start_2:
0xea: {  	(tag) =	ssettag $0x2  }
0xeb: {  	s0 =	rddreg [dreg:$0x0];
	s2 =	stileid.u32  }
0xec: {  	s1 =	rddreg [dreg:$0x1];
	p0 =	sne.s32 s2, $0x0  }
0xed: {  	s3 =	rddreg [dreg:$0x2];
	[bflag:$0x3] =	sbarrier.arrive $0xFFFF;
	s2 =	simm.s32 @!p0 $0x1C03  }
0xee: {  	[timem:s3], [sflag:s2] =	dma.local @!p0 [hbm:s0], s1  }
0xef: {  	s0 =	simm.s32 @!p0 $0x3  }
0xf0: {  	_ =	swait.ge @!p0 [sflag:s0], s1  }
0xf1: {  	s1 =	ssub.s32 @!p0 $0x0, s1;
	[sflag:s0] =	ssyncset.done @!p0 $0x0  }
0xf2: {  	[sflag:s0] =	ssyncadd.s32 @!p0 s1  }
0xf3: {  	[bflag:$0x3] =	sbarrier.arrive $0xFFFF  }
0xf4: {  	_ =	shalt  }

// kernel: kernel.9.cloned.1.call-start
scs
__scs_entry_jumppad:
0x0: {  	(pc) =	sbr.rel $0x88, $3  }
0x1: {  	(tag) =	ssettag $0x0;
	lr =	simm.s32 $0x1  }
0x2: {  	[smem:$0x3F9B] =	sst lr;
	_ =	strace $0xD0000000  }
0x3: {  	_ = 	snop  }
0x4: {  	_ = 	snop  }
0x5: {  	_ = 	snop  }
0x6: {  	_ = 	snop  }
0x7: {  	_ = 	snop  }
__scs_overlays_trampoline_lowered:
0x8: {  	[smem:$0x3FAA] =	sst s0  }
0x9: {  	[smem:$0x3FAB] =	sst s1  }
0xa: {  	[smem:$0x3FAC] =	sst s2  }
0xb: {  	[smem:$0x3FAD] =	sst s3  }
0xc: {  	[smem:$0x3FAE] =	sst s4  }
0xd: {  	[smem:$0x3FAF] =	sst s5  }
0xe: {  	[smem:$0x3FB0] =	sst s6  }
0xf: {  	[smem:$0x3FB1] =	sst s7  }
0x10: {  	[smem:$0x3FB2] =	sst s8  }
0x11: {  	[smem:$0x3FB3] =	sst s9;
	s0 =	simm.s32 @!p0 $0x0  }
0x12: {  	s1 =	sld [smem:$0x3F99];
	s0 =	simm.s32 @p0 $0x1  }
0x13: {  	[smem:$0x3FB4] =	sst s0;
	s0 =	simm.s32 @!p1 $0x0  }
0x14: {  	s2 =	sld [smem:$0x3F98];
	s0 =	simm.s32 @p1 $0x1  }
0x15: {  	[smem:$0x3FB5] =	sst s0;
	s0 =	simm.s32 @!p2 $0x0  }
0x16: {  	s3 =	sld [smem:$0x3FDB];
	s0 =	simm.s32 @p2 $0x1  }
0x17: {  	s4 =	simm.s32 $0x1BF5;
	[smem:$0x3FB7] =	sst s0  }
0x18: {  	s0 =	sld [smem:$0x3F9A];
	_ =	swait.ge [sflag:s4], $0x0  }
0x19: {  	s7 =	sld [smem:$0x3F9B]  }
0x1a: {  	s8 =	sadd.s32 $0xFFFFE003, lr  }
0x1b: {  	s9 =	sadd.s32 $0xFFFFFEF7, lr;
	s5 =	simm.s32 $0xFFFFFFFF;
	p2 =	slt.u32 s8, $0xFFFFF086  }
0x1c: {  	p1 =	slt.u32 s9, $0xF7A;
	s5 =	simm.s32 @!p2 $0x0  }
0x1d: {  	s5 =	simm.s32 @p1 $0x1;
	p0 =	seq.s32 s7, s2  }
0x1e: {  	s7 =	smul.u32 @!p0 $0xF7A, s2;
	p2 =	seq.s32 @!p0 s5, $0x0  }
0x1f: {  	s9 =	smul.u32 $0xF7A, s1;
	s8 =	simm.s32 @!p0 $0x1BF5;
	p2 =	por !p2, p0  }
0x20: {  	[sflag:s8] =	ssyncset.s32 @!p0 $0xFFFFF086;
	s6 =	sadd.s32 @!p0 s3, s7;
	s7 =	simm.s32 @!p0 $0x108  }
0x21: {  	s3 =	sadd.s32 s3, s9;
	s6 =	sadd.s32 @!p0 $0x88, s6;
	s7 =	simm.s32 @p2 $0x1082  }
0x22: {  	[simem:s7], [sflag:s8] =	dma.local @!p0 [hbm:s6], $0xF7A  }
0x23: {  	s9 =	sor.u32 $0xD0000000, s2;
	s6 =	simm.s32 $0x108;
	_ =	swait.ge @!p0 [sflag:s8], $0x0  }
0x24: {  	s3 =	sadd.s32 $0x88, s3;
	s6 =	simm.s32 @!p1 $0x1082;
	[sflag:s4] =	ssyncset.s32 $0xFFFFF086  }
0x25: {  	[simem:s6], [sflag:s4] =	dma.local [hbm:s3], $0xF7A  }
0x26: {  	[smem:$0x3F9B] =	sst s1;
	(tag) =	ssettag s2;
	_ =	strace s9  }
0x27: {  	s1 =	sld [smem:$0x3FAB]  }
0x28: {  	s2 =	sld [smem:$0x3FAC]  }
0x29: {  	s4 =	sld [smem:$0x3FAE]  }
0x2a: {  	p0 =	seq.s32 s5, $0x0;
	s5 =	sld [smem:$0x3FAF]  }
0x2b: {  	s6 =	sld [smem:$0x3FB0]  }
0x2c: {  	s7 =	sld [smem:$0x3FB1]  }
0x2d: {  	s3 =	simm.s32 $0x108;
	s8 =	sld [smem:$0x3FB2]  }
0x2e: {  	s3 =	simm.s32 @!p0 $0x1082;
	s9 =	sld [smem:$0x3FB3]  }
0x2f: {  	lr =	sadd.s32 s0, s3;
	s0 =	sld [smem:$0x3FAA]  }
0x30: {  	s3 =	sld [smem:$0x3FAD]  }
0x31: {  	[smem:$0x3FB6] =	sst s10  }
0x32: {  	s10 =	sld [smem:$0x3FB4];
	_ =	sdelay $0x3  }
0x33: {  	p0 =	seq.s32 s10, $0x1;
	s10 =	sld [smem:$0x3FB6];
	_ =	sdelay $0x3  }
0x34: {  	[smem:$0x3FB6] =	sst s10  }
0x35: {  	s10 =	sld [smem:$0x3FB5];
	_ =	sdelay $0x3  }
0x36: {  	p1 =	seq.s32 s10, $0x1;
	s10 =	sld [smem:$0x3FB6];
	_ =	sdelay $0x3  }
0x37: {  	[smem:$0x3FB6] =	sst s10  }
0x38: {  	s10 =	sld [smem:$0x3FB7]  }
0x39: {  	_ = 	snop;
	(pc) =	sbr.ind lr, $3  }
0x3a: {  	_ = 	snop  }
0x3b: {  	_ = 	snop  }
0x3c: {  	p2 =	seq.s32 s10, $0x1;
	s10 =	sld [smem:$0x3FB6]  }
0x3d: {  	_ =	shalt  }
0x3e: {  	_ =	shalt  }
0x3f: {  	_ =	shalt  }
0x40: {  	_ =	shalt  }
0x41: {  	_ =	shalt  }
0x42: {  	_ =	shalt  }
0x43: {  	_ =	shalt  }
0x44: {  	_ =	shalt  }
0x45: {  	_ =	shalt  }
0x46: {  	_ =	shalt  }
0x47: {  	_ =	shalt  }
0x48: {  	_ =	shalt  }
0x49: {  	_ =	shalt  }
0x4a: {  	_ =	shalt  }
0x4b: {  	_ =	shalt  }
0x4c: {  	_ =	shalt  }
0x4d: {  	_ =	shalt  }
0x4e: {  	_ =	shalt  }
0x4f: {  	_ =	shalt  }
0x50: {  	_ =	shalt  }
0x51: {  	_ =	shalt  }
0x52: {  	_ =	shalt  }
0x53: {  	_ =	shalt  }
0x54: {  	_ =	shalt  }
0x55: {  	_ =	shalt  }
0x56: {  	_ =	shalt  }
0x57: {  	_ =	shalt  }
0x58: {  	_ =	shalt  }
0x59: {  	_ =	shalt  }
0x5a: {  	_ =	shalt  }
0x5b: {  	_ =	shalt  }
0x5c: {  	_ =	shalt  }
0x5d: {  	_ =	shalt  }
0x5e: {  	_ =	shalt  }
0x5f: {  	_ =	shalt  }
0x60: {  	_ =	shalt  }
0x61: {  	_ =	shalt  }
0x62: {  	_ =	shalt  }
0x63: {  	_ =	shalt  }
0x64: {  	_ =	shalt  }
0x65: {  	_ =	shalt  }
0x66: {  	_ =	shalt  }
0x67: {  	_ =	shalt  }
0x68: {  	_ =	shalt  }
0x69: {  	_ =	shalt  }
0x6a: {  	_ =	shalt  }
0x6b: {  	_ =	shalt  }
0x6c: {  	_ =	shalt  }
0x6d: {  	_ =	shalt  }
0x6e: {  	_ =	shalt  }
0x6f: {  	_ =	shalt  }
0x70: {  	_ =	shalt  }
0x71: {  	_ =	shalt  }
0x72: {  	_ =	shalt  }
0x73: {  	_ =	shalt  }
0x74: {  	_ =	shalt  }
0x75: {  	_ =	shalt  }
0x76: {  	_ =	shalt  }
0x77: {  	_ =	shalt  }
0x78: {  	_ =	shalt  }
0x79: {  	_ =	shalt  }
0x7a: {  	_ =	shalt  }
0x7b: {  	_ =	shalt  }
0x7c: {  	_ =	shalt  }
0x7d: {  	_ =	shalt  }
0x7e: {  	_ =	shalt  }
0x7f: {  	_ =	shalt  }
0x80: {  	_ =	shalt  }
0x81: {  	_ =	shalt  }
0x82: {  	_ =	shalt  }
0x83: {  	_ =	shalt  }
0x84: {  	_ =	shalt  }
0x85: {  	_ =	shalt  }
0x86: {  	_ =	shalt  }
0x87: {  	_ =	shalt  }
.Lfunc_end0:
.L_simem_size_0:
called_computation.1_lowered:
.L_overlay_start_0:
0x88: {  	s2 =	sld [smem:$0x3FD9]  }
0x89: {  	s3 =	sld [smem:$0x3FFE];
	_ =	sdelay $0x1  }
0x8a: {  	s1 =	srdreg.scid  }
0x8b: {  	s0 =	sand.u32 $0x1, s1  }
0x8c: {  	s14 =	sshll.u32 s0, $0xA;
	s2 =	sadd.s32 s3, s2  }
0x8d: {  	s2 =	sadd.s32 s2, s14  }
0x8e: {  	[smem:$0x3FC2] =	sst s2  }
0x8f: {  	_ = 	snop  }
0x90: {  	s2 =	sld [smem:$0x3FD0];
	_ =	sdelay $0x2  }
0x91: {  	s15 =	simm.s32 $0xA;
	s4 =	simm.s32 $0x10  }
0x92: {  	[smem:s4], [sflag:s15] =	dma.local [hbm:s2], $0x1  }
0x93: {  	_ =	swait.eq [sflag:s15], $0x1  }
0x94: {  	[sflag:s15] =	ssyncset.done $0x0  }
0x95: {  	[sflag:s15] =	ssyncadd.s32 $0xFFFFFFFF  }
0x96: {  	s16 =	sld [smem:$0x10];
	(tm) =	ssettm $0x1  }
0x97: {  	s17 =	sld [smem:$0x3FFB];
	_ =	sdelay $0x3  }
0x98: {  	_ =	strace s17  }
0x99: {  	s3 =	sld [smem:$0x3FFC];
	_ =	sdelay $0x3  }
0x9a: {  	_ =	strace s3  }
0x9b: {  	s3 =	sld [smem:$0x3FFD];
	_ =	sdelay $0x3  }
0x9c: {  	_ =	strace s3  }
0x9d: {  	_ =	strace $0x8FFFFFFF  }
0x9e: {  	s18 =	sld [smem:$0x3FDB];
	_ =	sdelay $0x1  }
0x9f: {  	s19 =	simm.s32 $_scs_section_size  }
0xa0: {  	s5 =	simm.s32 $_size__tile_overlayer_lowered;
	s6 =	simm.s32 $_tile_overlayer_lowered  }
0xa1: {  	s22 =	simm.s32 $0x1BFF;
	s21 =	sshll.u32 s6, $0x1;
	s3 =	sadd.s32 s19, s18  }
0xa2: {  	s7 =	simm.s32 $0x0;
	s20 =	sshll.u32 s5, $0x1;
	s5 =	sadd.s32 s21, s3  }
0xa3: {  	[timem:s7], [sflag:s22] =	dma.local [hbm:s5], s20  }
0xa4: {  	_ =	swait.ge [sflag:s22], s20  }
0xa5: {  	s4 =	ssub.s32 $0x0, s20;
	[sflag:s22] =	ssyncset.done $0x0  }
0xa6: {  	[sflag:s22] =	ssyncadd.s32 s4;
	_ =	sdelay $0x1  }
0xa7: {  	s23 =	simm.s32 $0x1B8B  }
0xa8: {  	_ =	swait.ge [sflag:s23], $0x1  }
0xa9: {  	[sflag:s23] =	ssyncset.done $0x0  }
0xaa: {  	s25 =	simm.s32 $0x1B8E;
	s24 =	sld [smem:$0x3FFE];
	[sflag:s23] =	ssyncadd.s32 $0xFFFFFFFF  }
0xab: {  	s26 =	simm.s32 $execute0_lowered;
	[smem:$0x3FD2] =	sst s25  }
0xac: {  	s5 =	sshll.u32 s26, $0x1;
	_ =	strace $0x80000049;
	[dreg:$0x1] =	wrdreg $0xFFFFFFFF  }
0xad: {  	s28 =	simm.s32 $_size_execute0_lowered;
	s3 =	sadd.s32 s3, s5;
	[dreg:$0x0] =	wrdreg $0x0  }
0xae: {  	s5 =	sshll.u32 s28, $0x1;
	[dreg:$0x2] =	wrdreg s3  }
0xaf: {  	[dreg:$0x3] =	wrdreg s5  }
0xb0: {  	[dreg:$0x4] =	wrdreg $0xC0  }
0xb1: {  	_ =	task [dreg:s7], $0x5FFFF  }
0xb2: {  	[dreg:$0x1] =	wrdreg $0xFFFFFFFF  }
0xb3: {  	[dreg:$0x0] =	wrdreg $0x60  }
0xb4: {  	[dreg:$0x2] =	wrdreg s24  }
0xb5: {  	[dreg:$0x3] =	wrdreg s16  }
0xb6: {  	[dreg:$0x4] =	wrdreg $0x9  }
0xb7: {  	_ =	task.clear_ibuf [dreg:s7], $0x5FFFF;
	_ =	strace $0x90000049  }
0xb8: {  	s29 =	simm.s32 $0x9;
	_ =	strace $0x8000004B  }
0xb9: {  	_ =	swait.ge [sflag:s29], $0x1  }
0xba: {  	[sflag:s29] =	ssyncadd.s32 $0xFFFFFFFF  }
0xbb: {  	_ =	strace $0x9000004B  }
0xbc: {  	_ =	sfence  }
0xbd: {  	s30 =	sld [smem:$0x0];
	_ =	sdelay $0x2  }
0xbe: {  	s31 =	sshll.u32 s1, $0xD;
	s1 =	sshrl.u32 s1, $0x2  }
0xbf: {  	s3 =	sand.u32 $0x4000, s31;
	s1 =	sadd.s32 s1, s30  }
0xc0: {  	s0 =	sor.u32 s3, s0;
	s1 =	sshll.u32 s1, $0x11  }
0xc1: {  	s0 =	sor.u32 s1, s0  }
0xc2: {  	s0 =	sadd.s32 $0x8F2B, s0  }
0xc3: {  	[sflag:s0] =	ssyncadd.remote.s32 $0x1  }
0xc4: {  	_ =	sfence.sel $0xFFFF  }
0xc5: {  	[dreg:$0x0] =	wrdreg $0xFFFFFFFF;
	(pc) =	sbr.abs _section_cstart, $3  }
0xc6: {  	[dreg:$0x1] =	wrdreg $0xFFFFFFFF  }
0xc7: {  	_ =	task.clear_ibuf [dreg:s7], $0x2FFFF;
	_ =	strace $0x9FFFFFFF  }
0xc8: {  	(tm) =	ssettm $0x7FFFFFFF  }
0xc9: {  	_ =	shalt  }
tec
execute0_lowered:
.L_overlay_start_1:
0x0: {  	(tag) =	ssettag $0x1  }
0x1: {  	s0 =	rddreg [dreg:$0x0]  }
0x2: {  	s2 =	rddreg [dreg:$0x1];
	s1 =	simm.s32 $0x0  }
0x3: {  	s4 =	srdreg.scid;
	s6 =	stileid.u32;
	s15 =	simm.s32 $0x3  }
0x4: {  	s14 =	simm.s32 $0xA000;
	s16 =	simm.s32 $0xB800;
	s17 =	simm.s32 $0xC000  }
0x5: {  	s12 =	simm.s32 $0xC800;
	s18 =	simm.s32 $0xD000;
	s13 =	simm.s32 $0xD800  }
0x6: {  	s19 =	simm.s32 $0xE000;
	s20 =	simm.s32 $0xE800;
	s21 =	simm.s32 $0xF000  }
0x7: {  	s22 =	simm.s32 $0xF800;
	s23 =	simm.s32 $0x1;
	s24 =	simm.s32 $0x2  }
0x8: {  	s25 =	simm.s32 $0x0;
	[smem:$0x7FF] =	sst s1;
	s3 =	sadd.s32 $0x212600, s0  }
0x9: {  	s4 =	sand.u32 $0x1, s4;
	s6 =	sshll.u32 s6, $0x7;
	s9 =	sadd.s32 $0x10E00, s0  }
0xa: {  	s10 =	sadd.s32 $0x11000, s0;
	s5 =	ssub.s32 $0x2, s4;
	s4 =	sshll.u32 s4, $0x6  }
0xb: {  	s8 =	sadd.s32 $0x212900, s0;
	s7 =	sshrl.u32 s5, $0x1;
	s4 =	sor.u32 s4, s6  }
0xc: {  	_ =	strace $0x8000004A;
	s5 =	ssub.s32 s5, s7;
	s6 =	sshrl.u32 s4, $0x3  }
0xd: {  	s7 =	sadd.s32 $0x212800, s0;
	s11 =	sshll.u32 s4, $0x7;
	s26 =	sadd.s32 s9, s6  }
0xe: {  	s4 =	sor.u32 $0x20, s4;
	s6 =	sadd.s32 s10, s6;
	[dreg:$0x3] =	wrdreg s26  }
0xf: {  	s28 =	sadd.s32 s2, s11;
	s29 =	sshrl.u32 s4, $0x3;
	[dreg:$0x4] =	wrdreg s6  }
0x10: {  	s30 =	sshll.u32 s4, $0x7;
	s31 =	smax.u32 s5, $0x1;
	[dreg:$0x5] =	wrdreg s28  }
0x11: {  	s5 =	simm.s32 $0x9000;
	s9 =	sadd.s32 s9, s29;
	[dreg:$0x9] =	wrdreg s31  }
0x12: {  	v2 =	vlaneseq.u32;
	s6 =	sadd.s32 $0x212700, s0;
	s0 =	sadd.s32 s10, s29;
	[dreg:$0x6] =	wrdreg s9  }
0x13: {  	vm0 =	vmmov $0xffff;
	v1 =	vshrl.u32 v2, $0x3;
	s11 =	simm.s32 $0xB000;
	[dreg:$0x7] =	wrdreg s0;
	s0 =	sadd.s32 s2, s30  }
0x14: {  	v0 =	vand.u32 $0x7, v2;
	v2 =	vor.u32 $0x8, v2;
	v1 =	vmul.u32 $0x8, v1;
	s10 =	simm.s32 $0xA800;
	s9 =	simm.s32 $0x9800;
	[dreg:$0x8] =	wrdreg s0  }
.LBB2_1:
0x15: {  	s0 =	rddreg [dreg:$0x3];
	s2 =	simm.s32 $0x10000  }
0x16: {  	[tilespmem:s2], [sflag:$0x3] =	stream.linear.gather [hbm4b:s0+s1], $0x20, $0x38;
	[tilespmem:$0x10100] =	vst v63  }
0x17: {  	_ =	swait.ge [sflag:s15], $0x20  }
0x18: {  	[sflag:s15] =	ssyncset.done $0x0  }
0x19: {  	s28 =	simm.s32 $0x10080;
	s26 =	rddreg [dreg:$0x4];
	[sflag:s15] =	ssyncadd.s32 $0xFFFFFFE0  }
0x1a: {  	[tilespmem:s28], [sflag:$0x3] =	stream.linear.gather [hbm4b:s26+s1], $0x20, $0x38;
	[tilespmem:$0x10100] =	vst v63  }
0x1b: {  	_ =	swait.ge [sflag:s15], $0x20  }
0x1c: {  	[sflag:s15] =	ssyncset.done $0x0  }
0x1d: {  	[sflag:s15] =	ssyncadd.s32 $0xFFFFFFE0  }
0x1e: {  	v3 =	vld [tilespmem:$0x10000];
	_ =	sdelay $0x4  }
0x1f: {  	v4 =	vshll.u32 v3, $0x3  }
0x20: {  	v3 =	vand.u32 $0x7, v3;
	v4 =	vand.u32 $0xFFFFFFC0, v4  }
0x21: {  	v3 =	vor.u32 v3, v4  }
0x22: {  	v4 =	vperm.xlane v3, v0;
	_ =	sdelay $0x1  }
0x23: {  	v4 =	vadd.s32 v1, v4;
	_ =	sdelay $0x4  }
0x24: {  	[tilespmem:s1], [sflag:$0x1] =	stream.indirect_vreg.gather [hbm4b:s3+s1], $0x80, v4, vm0, $0xb8;
	[tilespmem:$0x10100] =	vst v63  }
0x25: {  	s29 =	simm.s32 $0x800;
	v3 =	vperm.xlane v3, v2  }
0x26: {  	[tilespmem:s29], [sflag:$0x1] =	stream.indirect_vreg.gather [hbm4b:s6+s1], $0x80, v4, vm0, $0xb8;
	[tilespmem:$0x10100] =	vst v63  }
0x27: {  	s30 =	simm.s32 $0x1000;
	v3 =	vadd.s32 v1, v3  }
0x28: {  	[tilespmem:s30], [sflag:$0x1] =	stream.indirect_vreg.gather [hbm4b:s7+s1], $0x80, v4, vm0, $0xb8;
	[tilespmem:$0x10100] =	vst v63  }
0x29: {  	s31 =	simm.s32 $0x1800  }
0x2a: {  	[tilespmem:s31], [sflag:$0x1] =	stream.indirect_vreg.gather [hbm4b:s8+s1], $0x80, v4, vm0, $0xb8;
	[tilespmem:$0x10100] =	vst v63  }
0x2b: {  	s2 =	simm.s32 $0x2000  }
0x2c: {  	[tilespmem:s2], [sflag:$0x1] =	stream.indirect_vreg.gather [hbm4b:s3+s1], $0x80, v3, vm0, $0xb8;
	[tilespmem:$0x10100] =	vst v63  }
0x2d: {  	s4 =	simm.s32 $0x2800  }
0x2e: {  	[tilespmem:s4], [sflag:$0x1] =	stream.indirect_vreg.gather [hbm4b:s6+s1], $0x80, v3, vm0, $0xb8;
	[tilespmem:$0x10100] =	vst v63  }
0x2f: {  	s26 =	simm.s32 $0x3000  }
0x30: {  	[tilespmem:s26], [sflag:$0x1] =	stream.indirect_vreg.gather [hbm4b:s7+s1], $0x80, v3, vm0, $0xb8;
	[tilespmem:$0x10100] =	vst v63  }
0x31: {  	s28 =	simm.s32 $0x3800  }
0x32: {  	[tilespmem:s28], [sflag:$0x1] =	stream.indirect_vreg.gather [hbm4b:s8+s1], $0x80, v3, vm0, $0xb8;
	[tilespmem:$0x10100] =	vst v63  }
0x33: {  	v3 =	vld [tilespmem:$0x10010];
	_ =	sdelay $0x4  }
0x34: {  	v61 =	vshll.u32 v3, $0x3  }
0x35: {  	v3 =	vand.u32 $0x7, v3;
	v4 =	vand.u32 $0xFFFFFFC0, v61  }
0x36: {  	v3 =	vor.u32 v3, v4  }
0x37: {  	v4 =	vperm.xlane v3, v0;
	_ =	sdelay $0x1  }
0x38: {  	v4 =	vadd.s32 v1, v4;
	_ =	sdelay $0x3  }
0x39: {  	s29 =	simm.s32 $0x4000  }
0x3a: {  	[tilespmem:s29], [sflag:$0x1] =	stream.indirect_vreg.gather [hbm4b:s3+s1], $0x80, v4, vm0, $0xb8;
	[tilespmem:$0x10100] =	vst v63  }
0x3b: {  	s30 =	simm.s32 $0x4800;
	v3 =	vperm.xlane v3, v2  }
0x3c: {  	[tilespmem:s30], [sflag:$0x1] =	stream.indirect_vreg.gather [hbm4b:s6+s1], $0x80, v4, vm0, $0xb8;
	[tilespmem:$0x10100] =	vst v63  }
0x3d: {  	s31 =	simm.s32 $0x5000;
	v3 =	vadd.s32 v1, v3  }
0x3e: {  	[tilespmem:s31], [sflag:$0x1] =	stream.indirect_vreg.gather [hbm4b:s7+s1], $0x80, v4, vm0, $0xb8;
	[tilespmem:$0x10100] =	vst v63  }
0x3f: {  	s2 =	simm.s32 $0x5800  }
0x40: {  	[tilespmem:s2], [sflag:$0x1] =	stream.indirect_vreg.gather [hbm4b:s8+s1], $0x80, v4, vm0, $0xb8;
	[tilespmem:$0x10100] =	vst v63  }
0x41: {  	s4 =	simm.s32 $0x6000  }
0x42: {  	[tilespmem:s4], [sflag:$0x1] =	stream.indirect_vreg.gather [hbm4b:s3+s1], $0x80, v3, vm0, $0xb8;
	[tilespmem:$0x10100] =	vst v63  }
0x43: {  	s26 =	simm.s32 $0x6800  }
0x44: {  	[tilespmem:s26], [sflag:$0x1] =	stream.indirect_vreg.gather [hbm4b:s6+s1], $0x80, v3, vm0, $0xb8;
	[tilespmem:$0x10100] =	vst v63  }
0x45: {  	s28 =	simm.s32 $0x7000  }
0x46: {  	[tilespmem:s28], [sflag:$0x1] =	stream.indirect_vreg.gather [hbm4b:s7+s1], $0x80, v3, vm0, $0xb8;
	[tilespmem:$0x10100] =	vst v63  }
0x47: {  	s29 =	simm.s32 $0x7800  }
0x48: {  	[tilespmem:s29], [sflag:$0x1] =	stream.indirect_vreg.gather [hbm4b:s8+s1], $0x80, v3, vm0, $0xb8;
	[tilespmem:$0x10100] =	vst v63  }
0x49: {  	v3 =	vld [tilespmem:$0x10080];
	_ =	sdelay $0x4  }
0x4a: {  	v62 =	vshll.u32 v3, $0x3  }
0x4b: {  	v3 =	vand.u32 $0x7, v3;
	v4 =	vand.u32 $0xFFFFFFC0, v62  }
0x4c: {  	v3 =	vor.u32 v3, v4  }
0x4d: {  	v4 =	vperm.xlane v3, v0;
	_ =	sdelay $0x1  }
0x4e: {  	v4 =	vadd.s32 v1, v4;
	_ =	sdelay $0x3  }
0x4f: {  	s30 =	simm.s32 $0x8000  }
0x50: {  	[tilespmem:s30], [sflag:$0x2] =	stream.indirect_vreg.gather [hbm4b:s3+s1], $0x80, v4, vm0, $0xb8;
	[tilespmem:$0x10100] =	vst v63  }
0x51: {  	s31 =	simm.s32 $0x8800;
	v3 =	vperm.xlane v3, v2  }
0x52: {  	[tilespmem:s31], [sflag:$0x2] =	stream.indirect_vreg.gather [hbm4b:s6+s1], $0x80, v4, vm0, $0xb8;
	[tilespmem:$0x10100] =	vst v63  }
0x53: {  	v3 =	vadd.s32 v1, v3  }
0x54: {  	[tilespmem:s5], [sflag:$0x2] =	stream.indirect_vreg.gather [hbm4b:s7+s1], $0x80, v4, vm0, $0xb8;
	[tilespmem:$0x10100] =	vst v63  }
0x55: {  	_ = 	snop  }
0x56: {  	[tilespmem:s9], [sflag:$0x2] =	stream.indirect_vreg.gather [hbm4b:s8+s1], $0x80, v4, vm0, $0xb8;
	[tilespmem:$0x10100] =	vst v63  }
0x57: {  	_ = 	snop  }
0x58: {  	[tilespmem:s14], [sflag:$0x2] =	stream.indirect_vreg.gather [hbm4b:s3+s1], $0x80, v3, vm0, $0xb8;
	[tilespmem:$0x10100] =	vst v63  }
0x59: {  	_ = 	snop  }
0x5a: {  	[tilespmem:s10], [sflag:$0x2] =	stream.indirect_vreg.gather [hbm4b:s6+s1], $0x80, v3, vm0, $0xb8;
	[tilespmem:$0x10100] =	vst v63  }
0x5b: {  	_ = 	snop  }
0x5c: {  	[tilespmem:s11], [sflag:$0x2] =	stream.indirect_vreg.gather [hbm4b:s7+s1], $0x80, v3, vm0, $0xb8;
	[tilespmem:$0x10100] =	vst v63  }
0x5d: {  	_ = 	snop  }
0x5e: {  	[tilespmem:s16], [sflag:$0x2] =	stream.indirect_vreg.gather [hbm4b:s8+s1], $0x80, v3, vm0, $0xb8;
	[tilespmem:$0x10100] =	vst v63  }
0x5f: {  	v3 =	vld [tilespmem:$0x10090];
	_ =	sdelay $0x4  }
0x60: {  	v63 =	vshll.u32 v3, $0x3  }
0x61: {  	v3 =	vand.u32 $0x7, v3;
	v4 =	vand.u32 $0xFFFFFFC0, v63  }
0x62: {  	v3 =	vor.u32 v3, v4  }
0x63: {  	v4 =	vperm.xlane v3, v0;
	_ =	sdelay $0x1  }
0x64: {  	v4 =	vadd.s32 v1, v4;
	_ =	sdelay $0x4  }
0x65: {  	[tilespmem:s17], [sflag:$0x2] =	stream.indirect_vreg.gather [hbm4b:s3+s1], $0x80, v4, vm0, $0xb8;
	[tilespmem:$0x10100] =	vst v63  }
0x66: {  	v3 =	vperm.xlane v3, v2  }
0x67: {  	[tilespmem:s12], [sflag:$0x2] =	stream.indirect_vreg.gather [hbm4b:s6+s1], $0x80, v4, vm0, $0xb8;
	[tilespmem:$0x10100] =	vst v63  }
0x68: {  	v3 =	vadd.s32 v1, v3  }
0x69: {  	[tilespmem:s18], [sflag:$0x2] =	stream.indirect_vreg.gather [hbm4b:s7+s1], $0x80, v4, vm0, $0xb8;
	[tilespmem:$0x10100] =	vst v63  }
0x6a: {  	_ = 	snop  }
0x6b: {  	[tilespmem:s13], [sflag:$0x2] =	stream.indirect_vreg.gather [hbm4b:s8+s1], $0x80, v4, vm0, $0xb8;
	[tilespmem:$0x10100] =	vst v63  }
0x6c: {  	_ = 	snop  }
0x6d: {  	[tilespmem:s19], [sflag:$0x2] =	stream.indirect_vreg.gather [hbm4b:s3+s1], $0x80, v3, vm0, $0xb8;
	[tilespmem:$0x10100] =	vst v63  }
0x6e: {  	_ = 	snop  }
0x6f: {  	[tilespmem:s20], [sflag:$0x2] =	stream.indirect_vreg.gather [hbm4b:s6+s1], $0x80, v3, vm0, $0xb8;
	[tilespmem:$0x10100] =	vst v63  }
0x70: {  	_ = 	snop  }
0x71: {  	[tilespmem:s21], [sflag:$0x2] =	stream.indirect_vreg.gather [hbm4b:s7+s1], $0x80, v3, vm0, $0xb8;
	[tilespmem:$0x10100] =	vst v63  }
0x72: {  	_ = 	snop  }
0x73: {  	[tilespmem:s22], [sflag:$0x2] =	stream.indirect_vreg.gather [hbm4b:s8+s1], $0x80, v3, vm0, $0xb8;
	[tilespmem:$0x10100] =	vst v63  }
0x74: {  	_ =	swait.ge [sflag:s23], $0x8000  }
0x75: {  	[sflag:s23] =	ssyncset.done $0x0  }
0x76: {  	[sflag:s23] =	ssyncadd.s32 $0xFFFF8000  }
0x77: {  	_ =	swait.ge [sflag:s24], $0x8000  }
0x78: {  	[sflag:s24] =	ssyncset.done $0x0  }
0x79: {  	s26 =	simm.s32 $0x0;
	[sflag:s24] =	ssyncadd.s32 $0xFFFF8000  }
.LBB2_2:
0x7a: {  	s0 =	sshll.u32 s26, $0xA;
	s2 =	sshll.u32 s26, $0x7  }
0x7b: {  	s4 =	simm.s32 $0x0;
	s0 =	sand.u32 $0x6000, s0;
	s2 =	sand.u32 $0x380, s2  }
0x7c: {  	s28 =	sor.u32 s0, s2;
	s2 =	sand.u32 $0x1C00, s4  }
0x7d: {  	s4 =	sand.u32 $0x70, s4;
	s0 =	sor.u32 s2, s28  }
0x7e: {  	s29 =	sor.u32 s4, s0  }
0x7f: {  	v3 =	vld [tilespmem:s29+$0x8000]  }
0x80: {  	v4 =	vld [tilespmem:s29+$0x0];
	_ =	sdelay $0x2  }
0x81: {  	s30 =	simm.s32 $0x80  }
0x82: {  	s2 =	simm.s32 $0x10;
	s4 =	sand.u32 $0x1C00, s30  }
0x83: {  	s31 =	simm.s32 $0x20;
	s0 =	sand.u32 $0x70, s2;
	s2 =	sor.u32 s4, s28;
	v3 =	vadd.f32 v3, v4  }
.LBB2_3:
0x84: {  	p0 =	sne.s32 s31, $0x3F0;
	s0 =	sor.u32 s0, s2  }
0x85: {  	v4 =	vld [tilespmem:s0+$0x8000];
	[tilespmem:s29+$0x0] =	vst v3;
	s29 =	smov.u32 s0  }
0x86: {  	v3 =	vld [tilespmem:s29+$0x0]  }
.Ltmp0:
0x87: {  	(pc) =	sbr.rel @p0 .LBB2_3-.Ltmp0, $4  }
0x88: {  	_ = 	snop  }
0x89: {  	s30 =	sadd.s32 $0x80, s30  }
0x8a: {  	s2 =	sand.u32 $0x1C00, s30  }
0x8b: {  	s0 =	sand.u32 $0x70, s31;
	s31 =	sadd.s32 $0x10, s31;
	s2 =	sor.u32 s2, s28;
	v3 =	vadd.f32 v4, v3  }
0x8c: {  	s0 =	sor.u32 s0, s2  }
0x8d: {  	v4 =	vld [tilespmem:s0+$0x8000];
	[tilespmem:s29+$0x0] =	vst v3  }
0x8e: {  	v3 =	vld [tilespmem:s0+$0x0]  }
0x8f: {  	s26 =	sadd.s32 $0x1, s26  }
0x90: {  	p0 =	sne.s32 s26, $0x20  }
.Ltmp1:
0x91: {  	_ = 	snop;
	(pc) =	sbr.rel @p0 .LBB2_2-.Ltmp1, $3  }
0x92: {  	_ = 	snop  }
0x93: {  	v3 =	vadd.f32 v4, v3;
	_ =	sdelay $0x1  }
0x94: {  	[tilespmem:s0+$0x0] =	vst v3  }
0x95: {  	s26 =	simm.s32 $0x0;
	s0 =	rddreg [dreg:$0x5]  }
0x96: {  	[hbm4b:s0+s26] =	stream.linear.scatter [tilespmem:s26], [sflag:$0x3], $0x8000, $0x38;
	[tilespmem:$0x10100] =	vst v63  }
0x97: {  	_ =	swait.ge [sflag:s15], $0x8000  }
0x98: {  	[sflag:s15] =	ssyncset.done $0x0  }
0x99: {  	s2 =	simm.s32 $0x10000;
	s31 =	rddreg [dreg:$0x6];
	[sflag:s15] =	ssyncadd.s32 $0xFFFF8000  }
0x9a: {  	[tilespmem:s2], [sflag:$0x3] =	stream.linear.gather [hbm4b:s31+s26], $0x20, $0x38;
	[tilespmem:$0x10100] =	vst v63  }
0x9b: {  	_ =	swait.ge [sflag:s15], $0x20  }
0x9c: {  	[sflag:s15] =	ssyncset.done $0x0  }
0x9d: {  	s29 =	simm.s32 $0x10080;
	s4 =	rddreg [dreg:$0x7];
	[sflag:s15] =	ssyncadd.s32 $0xFFFFFFE0  }
0x9e: {  	[tilespmem:s29], [sflag:$0x3] =	stream.linear.gather [hbm4b:s4+s26], $0x20, $0x38;
	[tilespmem:$0x10100] =	vst v63  }
0x9f: {  	_ =	swait.ge [sflag:s15], $0x20  }
0xa0: {  	[sflag:s15] =	ssyncset.done $0x0  }
0xa1: {  	[sflag:s15] =	ssyncadd.s32 $0xFFFFFFE0  }
0xa2: {  	v3 =	vld [tilespmem:$0x10000];
	_ =	sdelay $0x4  }
0xa3: {  	v4 =	vshll.u32 v3, $0x3  }
0xa4: {  	v3 =	vand.u32 $0x7, v3;
	v4 =	vand.u32 $0xFFFFFFC0, v4  }
0xa5: {  	v3 =	vor.u32 v3, v4  }
0xa6: {  	v4 =	vperm.xlane v3, v0;
	_ =	sdelay $0x1  }
0xa7: {  	v4 =	vadd.s32 v1, v4;
	_ =	sdelay $0x4  }
0xa8: {  	[tilespmem:s26], [sflag:$0x1] =	stream.indirect_vreg.gather [hbm4b:s3+s26], $0x80, v4, vm0, $0xb8;
	[tilespmem:$0x10100] =	vst v63  }
0xa9: {  	s30 =	simm.s32 $0x800;
	v3 =	vperm.xlane v3, v2  }
0xaa: {  	[tilespmem:s30], [sflag:$0x1] =	stream.indirect_vreg.gather [hbm4b:s6+s26], $0x80, v4, vm0, $0xb8;
	[tilespmem:$0x10100] =	vst v63  }
0xab: {  	s31 =	simm.s32 $0x1000;
	v3 =	vadd.s32 v1, v3  }
0xac: {  	[tilespmem:s31], [sflag:$0x1] =	stream.indirect_vreg.gather [hbm4b:s7+s26], $0x80, v4, vm0, $0xb8;
	[tilespmem:$0x10100] =	vst v63  }
0xad: {  	s2 =	simm.s32 $0x1800  }
0xae: {  	[tilespmem:s2], [sflag:$0x1] =	stream.indirect_vreg.gather [hbm4b:s8+s26], $0x80, v4, vm0, $0xb8;
	[tilespmem:$0x10100] =	vst v63  }
0xaf: {  	s4 =	simm.s32 $0x2000  }
0xb0: {  	[tilespmem:s4], [sflag:$0x1] =	stream.indirect_vreg.gather [hbm4b:s3+s26], $0x80, v3, vm0, $0xb8;
	[tilespmem:$0x10100] =	vst v63  }
0xb1: {  	s29 =	simm.s32 $0x2800  }
0xb2: {  	[tilespmem:s29], [sflag:$0x1] =	stream.indirect_vreg.gather [hbm4b:s6+s26], $0x80, v3, vm0, $0xb8;
	[tilespmem:$0x10100] =	vst v63  }
0xb3: {  	s30 =	simm.s32 $0x3000  }
0xb4: {  	[tilespmem:s30], [sflag:$0x1] =	stream.indirect_vreg.gather [hbm4b:s7+s26], $0x80, v3, vm0, $0xb8;
	[tilespmem:$0x10100] =	vst v63  }
0xb5: {  	s31 =	simm.s32 $0x3800  }
0xb6: {  	[tilespmem:s31], [sflag:$0x1] =	stream.indirect_vreg.gather [hbm4b:s8+s26], $0x80, v3, vm0, $0xb8;
	[tilespmem:$0x10100] =	vst v63  }
0xb7: {  	v3 =	vld [tilespmem:$0x10010];
	_ =	sdelay $0x4  }
0xb8: {  	v61 =	vshll.u32 v3, $0x3  }
0xb9: {  	v3 =	vand.u32 $0x7, v3;
	v4 =	vand.u32 $0xFFFFFFC0, v61  }
0xba: {  	v3 =	vor.u32 v3, v4  }
0xbb: {  	v4 =	vperm.xlane v3, v0;
	_ =	sdelay $0x1  }
0xbc: {  	v4 =	vadd.s32 v1, v4;
	_ =	sdelay $0x3  }
0xbd: {  	s2 =	simm.s32 $0x4000  }
0xbe: {  	[tilespmem:s2], [sflag:$0x1] =	stream.indirect_vreg.gather [hbm4b:s3+s26], $0x80, v4, vm0, $0xb8;
	[tilespmem:$0x10100] =	vst v63  }
0xbf: {  	s4 =	simm.s32 $0x4800;
	v3 =	vperm.xlane v3, v2  }
0xc0: {  	[tilespmem:s4], [sflag:$0x1] =	stream.indirect_vreg.gather [hbm4b:s6+s26], $0x80, v4, vm0, $0xb8;
	[tilespmem:$0x10100] =	vst v63  }
0xc1: {  	s29 =	simm.s32 $0x5000;
	v3 =	vadd.s32 v1, v3  }
0xc2: {  	[tilespmem:s29], [sflag:$0x1] =	stream.indirect_vreg.gather [hbm4b:s7+s26], $0x80, v4, vm0, $0xb8;
	[tilespmem:$0x10100] =	vst v63  }
0xc3: {  	s30 =	simm.s32 $0x5800  }
0xc4: {  	[tilespmem:s30], [sflag:$0x1] =	stream.indirect_vreg.gather [hbm4b:s8+s26], $0x80, v4, vm0, $0xb8;
	[tilespmem:$0x10100] =	vst v63  }
0xc5: {  	s31 =	simm.s32 $0x6000  }
0xc6: {  	[tilespmem:s31], [sflag:$0x1] =	stream.indirect_vreg.gather [hbm4b:s3+s26], $0x80, v3, vm0, $0xb8;
	[tilespmem:$0x10100] =	vst v63  }
0xc7: {  	s2 =	simm.s32 $0x6800  }
0xc8: {  	[tilespmem:s2], [sflag:$0x1] =	stream.indirect_vreg.gather [hbm4b:s6+s26], $0x80, v3, vm0, $0xb8;
	[tilespmem:$0x10100] =	vst v63  }
0xc9: {  	s4 =	simm.s32 $0x7000  }
0xca: {  	[tilespmem:s4], [sflag:$0x1] =	stream.indirect_vreg.gather [hbm4b:s7+s26], $0x80, v3, vm0, $0xb8;
	[tilespmem:$0x10100] =	vst v63  }
0xcb: {  	s29 =	simm.s32 $0x7800  }
0xcc: {  	[tilespmem:s29], [sflag:$0x1] =	stream.indirect_vreg.gather [hbm4b:s8+s26], $0x80, v3, vm0, $0xb8;
	[tilespmem:$0x10100] =	vst v63  }
0xcd: {  	v3 =	vld [tilespmem:$0x10080];
	_ =	sdelay $0x4  }
0xce: {  	v62 =	vshll.u32 v3, $0x3  }
0xcf: {  	v3 =	vand.u32 $0x7, v3;
	v4 =	vand.u32 $0xFFFFFFC0, v62  }
0xd0: {  	v3 =	vor.u32 v3, v4  }
0xd1: {  	v4 =	vperm.xlane v3, v0;
	_ =	sdelay $0x1  }
0xd2: {  	v4 =	vadd.s32 v1, v4;
	_ =	sdelay $0x3  }
0xd3: {  	s30 =	simm.s32 $0x8000  }
0xd4: {  	[tilespmem:s30], [sflag:$0x2] =	stream.indirect_vreg.gather [hbm4b:s3+s26], $0x80, v4, vm0, $0xb8;
	[tilespmem:$0x10100] =	vst v63  }
0xd5: {  	s31 =	simm.s32 $0x8800;
	v3 =	vperm.xlane v3, v2  }
0xd6: {  	[tilespmem:s31], [sflag:$0x2] =	stream.indirect_vreg.gather [hbm4b:s6+s26], $0x80, v4, vm0, $0xb8;
	[tilespmem:$0x10100] =	vst v63  }
0xd7: {  	v3 =	vadd.s32 v1, v3  }
0xd8: {  	[tilespmem:s5], [sflag:$0x2] =	stream.indirect_vreg.gather [hbm4b:s7+s26], $0x80, v4, vm0, $0xb8;
	[tilespmem:$0x10100] =	vst v63  }
0xd9: {  	_ = 	snop  }
0xda: {  	[tilespmem:s9], [sflag:$0x2] =	stream.indirect_vreg.gather [hbm4b:s8+s26], $0x80, v4, vm0, $0xb8;
	[tilespmem:$0x10100] =	vst v63  }
0xdb: {  	_ = 	snop  }
0xdc: {  	[tilespmem:s14], [sflag:$0x2] =	stream.indirect_vreg.gather [hbm4b:s3+s26], $0x80, v3, vm0, $0xb8;
	[tilespmem:$0x10100] =	vst v63  }
0xdd: {  	_ = 	snop  }
0xde: {  	[tilespmem:s10], [sflag:$0x2] =	stream.indirect_vreg.gather [hbm4b:s6+s26], $0x80, v3, vm0, $0xb8;
	[tilespmem:$0x10100] =	vst v63  }
0xdf: {  	_ = 	snop  }
0xe0: {  	[tilespmem:s11], [sflag:$0x2] =	stream.indirect_vreg.gather [hbm4b:s7+s26], $0x80, v3, vm0, $0xb8;
	[tilespmem:$0x10100] =	vst v63  }
0xe1: {  	_ = 	snop  }
0xe2: {  	[tilespmem:s16], [sflag:$0x2] =	stream.indirect_vreg.gather [hbm4b:s8+s26], $0x80, v3, vm0, $0xb8;
	[tilespmem:$0x10100] =	vst v63  }
0xe3: {  	v3 =	vld [tilespmem:$0x10090];
	_ =	sdelay $0x4  }
0xe4: {  	v63 =	vshll.u32 v3, $0x3  }
0xe5: {  	v3 =	vand.u32 $0x7, v3;
	v4 =	vand.u32 $0xFFFFFFC0, v63  }
0xe6: {  	v3 =	vor.u32 v3, v4  }
0xe7: {  	v4 =	vperm.xlane v3, v0;
	_ =	sdelay $0x1  }
0xe8: {  	v4 =	vadd.s32 v1, v4;
	_ =	sdelay $0x4  }
0xe9: {  	[tilespmem:s17], [sflag:$0x2] =	stream.indirect_vreg.gather [hbm4b:s3+s26], $0x80, v4, vm0, $0xb8;
	[tilespmem:$0x10100] =	vst v63  }
0xea: {  	v3 =	vperm.xlane v3, v2  }
0xeb: {  	[tilespmem:s12], [sflag:$0x2] =	stream.indirect_vreg.gather [hbm4b:s6+s26], $0x80, v4, vm0, $0xb8;
	[tilespmem:$0x10100] =	vst v63  }
0xec: {  	v3 =	vadd.s32 v1, v3  }
0xed: {  	[tilespmem:s18], [sflag:$0x2] =	stream.indirect_vreg.gather [hbm4b:s7+s26], $0x80, v4, vm0, $0xb8;
	[tilespmem:$0x10100] =	vst v63  }
0xee: {  	_ = 	snop  }
0xef: {  	[tilespmem:s13], [sflag:$0x2] =	stream.indirect_vreg.gather [hbm4b:s8+s26], $0x80, v4, vm0, $0xb8;
	[tilespmem:$0x10100] =	vst v63  }
0xf0: {  	_ = 	snop  }
0xf1: {  	[tilespmem:s19], [sflag:$0x2] =	stream.indirect_vreg.gather [hbm4b:s3+s26], $0x80, v3, vm0, $0xb8;
	[tilespmem:$0x10100] =	vst v63  }
0xf2: {  	_ = 	snop  }
0xf3: {  	[tilespmem:s20], [sflag:$0x2] =	stream.indirect_vreg.gather [hbm4b:s6+s26], $0x80, v3, vm0, $0xb8;
	[tilespmem:$0x10100] =	vst v63  }
0xf4: {  	_ = 	snop  }
0xf5: {  	[tilespmem:s21], [sflag:$0x2] =	stream.indirect_vreg.gather [hbm4b:s7+s26], $0x80, v3, vm0, $0xb8;
	[tilespmem:$0x10100] =	vst v63  }
0xf6: {  	_ = 	snop  }
0xf7: {  	[tilespmem:s22], [sflag:$0x2] =	stream.indirect_vreg.gather [hbm4b:s8+s26], $0x80, v3, vm0, $0xb8;
	[tilespmem:$0x10100] =	vst v63  }
0xf8: {  	_ =	swait.ge [sflag:s23], $0x8000  }
0xf9: {  	[sflag:s23] =	ssyncset.done $0x0  }
0xfa: {  	[sflag:s23] =	ssyncadd.s32 $0xFFFF8000  }
0xfb: {  	_ =	swait.ge [sflag:s24], $0x8000  }
0xfc: {  	[sflag:s24] =	ssyncset.done $0x0  }
0xfd: {  	s28 =	simm.s32 $0x0;
	[sflag:s24] =	ssyncadd.s32 $0xFFFF8000  }
.LBB2_6:
0xfe: {  	s0 =	sshll.u32 s28, $0xA;
	s2 =	sshll.u32 s28, $0x7  }
0xff: {  	s0 =	sand.u32 $0x6000, s0;
	s2 =	sand.u32 $0x380, s2  }
0x100: {  	s29 =	sor.u32 s0, s2;
	s2 =	sand.u32 $0x1C00, s26  }
0x101: {  	s4 =	sand.u32 $0x70, s26;
	s0 =	sor.u32 s2, s29  }
0x102: {  	s30 =	sor.u32 s4, s0  }
0x103: {  	v3 =	vld [tilespmem:s30+$0x8000]  }
0x104: {  	v4 =	vld [tilespmem:s30+$0x0];
	_ =	sdelay $0x2  }
0x105: {  	s31 =	simm.s32 $0x80  }
0x106: {  	s2 =	simm.s32 $0x10;
	s4 =	sand.u32 $0x1C00, s31  }
0x107: {  	s2 =	sand.u32 $0x70, s2;
	s0 =	simm.s32 $0x20;
	s4 =	sor.u32 s4, s29;
	v3 =	vadd.f32 v3, v4  }
.LBB2_7:
0x108: {  	p0 =	sne.s32 s0, $0x3F0;
	s2 =	sor.u32 s2, s4  }
0x109: {  	v4 =	vld [tilespmem:s2+$0x8000];
	[tilespmem:s30+$0x0] =	vst v3;
	s30 =	smov.u32 s2  }
0x10a: {  	v3 =	vld [tilespmem:s30+$0x0]  }
.Ltmp2:
0x10b: {  	(pc) =	sbr.rel @p0 .LBB2_7-.Ltmp2, $4  }
0x10c: {  	_ = 	snop  }
0x10d: {  	s31 =	sadd.s32 $0x80, s31  }
0x10e: {  	s4 =	sand.u32 $0x1C00, s31  }
0x10f: {  	s2 =	sand.u32 $0x70, s0;
	s0 =	sadd.s32 $0x10, s0;
	s4 =	sor.u32 s4, s29;
	v3 =	vadd.f32 v4, v3  }
0x110: {  	s0 =	sor.u32 s2, s4  }
0x111: {  	v4 =	vld [tilespmem:s0+$0x8000];
	[tilespmem:s30+$0x0] =	vst v3  }
0x112: {  	v3 =	vld [tilespmem:s0+$0x0]  }
0x113: {  	s28 =	sadd.s32 $0x1, s28  }
0x114: {  	p0 =	sne.s32 s28, $0x20  }
.Ltmp3:
0x115: {  	_ = 	snop;
	(pc) =	sbr.rel @p0 .LBB2_6-.Ltmp3, $3  }
0x116: {  	_ = 	snop  }
0x117: {  	v3 =	vadd.f32 v4, v3;
	_ =	sdelay $0x1  }
0x118: {  	[tilespmem:s0+$0x0] =	vst v3  }
0x119: {  	s0 =	rddreg [dreg:$0x8]  }
0x11a: {  	[hbm4b:s0+s1] =	stream.linear.scatter [tilespmem:s1], [sflag:$0x3], $0x8000, $0x38;
	[tilespmem:$0x10100] =	vst v63  }
0x11b: {  	_ =	swait.ge [sflag:s15], $0x8000  }
0x11c: {  	s25 =	sadd.s32 $0x1, s25;
	s31 =	rddreg [dreg:$0x9]  }
0x11d: {  	p0 =	sne.s32 s25, s31  }
.Ltmp4:
0x11e: {  	_ = 	snop;
	(pc) =	sbr.rel @p0 .LBB2_1-.Ltmp4, $3  }
0x11f: {  	_ =	sdelay $0x1  }
0x120: {  	[sflag:s15] =	ssyncset.done $0x0  }
0x121: {  	[sflag:s15] =	ssyncadd.s32 $0xFFFF8000  }
0x122: {  	_ =	sfence.sel $0x180000  }
0x123: {  	[bflag:$0x0] =	sbarrier.arrive $0xFFFF  }
0x124: {  	_ =	strace $0x9000004A  }
0x125: {  	s0 =	stileid.u32;
	[bflag:$0x2] =	sbarrier.arrive $0xFFFF  }
0x126: {  	p0 =	sne.s32 s0, $0x0;
	s0 =	rddreg [dreg:$0x2]  }
0x127: {  	s0 =	sadd.s32 @!p0 $0x100000, s0  }
0x128: {  	[sflag:s0] =	ssyncadd.tile.s32 @!p0 $0x1;
	_ =	shalt  }
.Lfunc_end2:
_tile_overlayer_lowered:
.L_overlay_start_2:
0x129: {  	(tag) =	ssettag $0x2  }
0x12a: {  	s0 =	rddreg [dreg:$0x0];
	s2 =	stileid.u32  }
0x12b: {  	s1 =	rddreg [dreg:$0x1];
	p0 =	sne.s32 s2, $0x0  }
0x12c: {  	s3 =	rddreg [dreg:$0x2];
	[bflag:$0x3] =	sbarrier.arrive $0xFFFF;
	s2 =	simm.s32 @!p0 $0x1C03  }
0x12d: {  	[timem:s3], [sflag:s2] =	dma.local @!p0 [hbm:s0], s1  }
0x12e: {  	s0 =	simm.s32 @!p0 $0x3  }
0x12f: {  	_ =	swait.ge @!p0 [sflag:s0], s1  }
0x130: {  	s1 =	ssub.s32 @!p0 $0x0, s1;
	[sflag:s0] =	ssyncset.done @!p0 $0x0  }
0x131: {  	[sflag:s0] =	ssyncadd.s32 @!p0 s1  }
0x132: {  	[bflag:$0x3] =	sbarrier.arrive $0xFFFF  }
0x133: {  	_ =	shalt  }

</sc_bundles>
